<compile_context>
chip_gen: v7x
topology: tpu7x:2x2x1
jax: 0.10.2.dev20260603
libtpu: 0.0.44.dev20260713+nightly
codegen_flags: <defaults>
</compile_context>

<pallas_src>
import math

import jax
import jax.numpy as jnp
from jax import lax
from jax.experimental import pallas as pl
from jax.experimental.pallas import tpu as pltpu
from jax.experimental.pallas import tpu_sc as plsc

S = 2048
D = 1024
R = 64
NCMP = 16
N = 100000
K = 8

QB = 256
CHUNK = 2048
NCH = (N + CHUNK - 1) // CHUNK
NPAD = NCH * CHUNK
NEG = -1e30


def _topk_kernel(q_ref, kh_ref, kl_ref, idx_ref, w_ref,
                 s_ref, rs_ref, ri_ref):
    nc = pl.program_id(1)

    @pl.when(nc == 0)
    def _():
        rs_ref[...] = jnp.full((QB, K), NEG, jnp.float32)
        ri_ref[...] = jnp.zeros((QB, K), jnp.int32)

    qb = q_ref[...]
    s = jnp.dot(qb, kh_ref[...], preferred_element_type=jnp.float32)
    s += jnp.dot(qb, kl_ref[...], preferred_element_type=jnp.float32)
    col = jax.lax.broadcasted_iota(jnp.int32, (QB, CHUNK), 1)
    base = nc * CHUNK
    s = jnp.where(col < N - base, s, NEG)
    s_ref[...] = s
    m0 = jnp.max(s, axis=1, keepdims=True)
    thr0 = rs_ref[...][:, K - 1:K]
    j8 = jax.lax.broadcasted_iota(jnp.int32, (QB, K), 1)

    def cond(carry):
        m, thr = carry
        return jnp.any(m > thr)

    def body(carry):
        m, _ = carry
        s = s_ref[...]
        a = jnp.min(jnp.where(s == m, col, jnp.int32(1 << 30)),
                    axis=1, keepdims=True)
        s2 = jnp.where(col == a, NEG, s)
        s_ref[...] = s2
        m2 = jnp.max(s2, axis=1, keepdims=True)
        r = rs_ref[...]
        ri = ri_ref[...]
        pos = jnp.sum((r >= m).astype(jnp.int32), axis=1, keepdims=True)
        r_sh = jnp.concatenate([r[:, :1], r[:, :K - 1]], axis=1)
        i_sh = jnp.concatenate([ri[:, :1], ri[:, :K - 1]], axis=1)
        newr = jnp.where(j8 < pos, r, jnp.where(j8 == pos, m, r_sh))
        newi = jnp.where(j8 < pos, ri, jnp.where(j8 == pos, base + a, i_sh))
        rs_ref[...] = newr
        ri_ref[...] = newi
        return (m2, newr[:, K - 1:K])

    jax.lax.while_loop(cond, body, (m0, thr0))

    @pl.when(nc == NCH - 1)
    def _():
        r = rs_ref[...] * jnp.float32(1.0 / math.sqrt(R))
        e = jnp.exp(r - r[:, 0:1])
        w = e / jnp.sum(e, axis=1, keepdims=True)
        idx_ref[...] = ri_ref[...]
        w_ref[...] = w


def _topk(q_bf16, kh, kl):
    return pl.pallas_call(
        _topk_kernel,
        grid=(S // QB, NCH),
        in_specs=[
            pl.BlockSpec((QB, R), lambda qt, nc: (qt, 0)),
            pl.BlockSpec((R, CHUNK), lambda qt, nc: (0, nc)),
            pl.BlockSpec((R, CHUNK), lambda qt, nc: (0, nc)),
        ],
        out_specs=[
            pl.BlockSpec((QB, K), lambda qt, nc: (qt, 0)),
            pl.BlockSpec((QB, K), lambda qt, nc: (qt, 0)),
        ],
        out_shape=[
            jax.ShapeDtypeStruct((S, K), jnp.int32),
            jax.ShapeDtypeStruct((S, K), jnp.float32),
        ],
        scratch_shapes=[
            pltpu.VMEM((QB, CHUNK), jnp.float32),
            pltpu.VMEM((QB, K), jnp.float32),
            pltpu.VMEM((QB, K), jnp.int32),
        ],
        compiler_params=pltpu.CompilerParams(
            dimension_semantics=("arbitrary", "arbitrary"),
        ),
    )(q_bf16, kh, kl)


NW = 32
QPW = S // NW
QBLK = 8
NBLK = QPW // QBLK


def _lane_splat(v, i):
    return lax.gather(
        v, jnp.full((16, 1), i, jnp.int32),
        lax.GatherDimensionNumbers(offset_dims=(), collapsed_slice_dims=(0,),
                                   start_index_map=(0,)),
        (1,), mode=lax.GatherScatterMode.PROMISE_IN_BOUNDS)


def _combine_kernel(v_hbm, idx_hbm, w_hbm, out_hbm, idx_v, w_v, rows_v,
                    acc_v, sem):
    wid = lax.axis_index("s") * 2 + lax.axis_index("c")
    pltpu.sync_copy(idx_hbm.at[wid], idx_v)
    pltpu.sync_copy(w_hbm.at[wid], w_v)

    def blk_body(blk, _):
        base_row = blk * (QBLK * K)
        pltpu.async_copy(v_hbm.at[idx_v.at[pl.ds(base_row, QBLK * K)]],
                         rows_v, sem).wait()
        for g in range(QBLK * K // 16):
            wv = w_v[pl.ds(base_row + g * 16, 16)]
            ws = [_lane_splat(wv, i) for i in range(16)]

            def d_body(dj, _):
                sl = pl.ds(dj * 16, 16)
                a0 = ws[0] * rows_v[g * 16 + 0, sl]
                a1 = ws[8] * rows_v[g * 16 + 8, sl]
                for k in range(1, K):
                    a0 = a0 + ws[k] * rows_v[g * 16 + k, sl]
                    a1 = a1 + ws[8 + k] * rows_v[g * 16 + 8 + k, sl]
                acc_v[2 * g, sl] = a0
                acc_v[2 * g + 1, sl] = a1
                return 0

            lax.fori_loop(0, D // 16, d_body, 0)
        pltpu.sync_copy(acc_v, out_hbm.at[pl.ds(wid * QPW + blk * QBLK, QBLK)])
        return 0

    lax.fori_loop(0, NBLK, blk_body, 0)


def _combine(knowledge_V, idx3d, w3d):
    mesh = plsc.VectorSubcoreMesh(core_axis_name="c", subcore_axis_name="s")
    f = pl.kernel(
        _combine_kernel,
        mesh=mesh,
        out_type=jax.ShapeDtypeStruct((S, D), jnp.float32),
        scratch_types=[
            pltpu.VMEM((QPW * K,), jnp.int32),
            pltpu.VMEM((QPW * K,), jnp.float32),
            pltpu.VMEM((QBLK * K, D), jnp.float32),
            pltpu.VMEM((QBLK, D), jnp.float32),
            pltpu.SemaphoreType.DMA,
        ],
    )
    return f(knowledge_V, idx3d, w3d)


def kernel(x, memory_weights, compress_neurons, knowledge_K, knowledge_V):
    sc = jnp.einsum('bn,ndr->bdr', memory_weights, compress_neurons)
    q = jnp.einsum('bsd,bdr->bsr', x, sc)[0].astype(jnp.bfloat16)

    ktf = knowledge_K.T
    kh = ktf.astype(jnp.bfloat16)
    kl = (ktf - kh.astype(jnp.float32)).astype(jnp.bfloat16)
    pad = ((0, 0), (0, NPAD - N))
    topk_idx, weights = _topk(q, jnp.pad(kh, pad), jnp.pad(kl, pad))

    idx3d = topk_idx.reshape(NW, QPW * K)
    w3d = weights.reshape(NW, QPW * K)
    output = _combine(knowledge_V, idx3d, w3d)
    return (output.reshape(1, S, D), topk_idx.reshape(1, S, K),
            weights.reshape(1, S, K))

# --- scband reference (transcript-rebuilt; emitter-appended) ---
"""Pipeline reference for scband-neuron-memory-21157008900529 (READ-ONLY COPY).

The authoritative reference and input builder live on the scoring server;
editing this copy changes nothing except your own understanding.
"""

import jax, jax.numpy as jnp
import numpy as np
import math

B, S, D = 1, 2048, 1024
RANK = 64
N_COMPRESS = 16
N_KNOWLEDGE = 100000
KNOWLEDGE_K = 8


def setup_inputs(seed: int = 0) -> dict:
    key = jax.random.key(seed)
    ks = jax.random.split(key, 5)
    x = jax.random.normal(ks[0], (B, S, D), dtype=jnp.float32)
    memory_weights = jax.nn.softmax(jax.random.normal(ks[1], (B, N_COMPRESS), dtype=jnp.float32), axis=-1)
    compress_neurons = jax.random.normal(ks[2], (N_COMPRESS, D, RANK), dtype=jnp.float32) / math.sqrt(D)
    knowledge_K = jax.random.normal(ks[3], (N_KNOWLEDGE, RANK), dtype=jnp.float32) * 0.02
    knowledge_V = jax.random.normal(ks[4], (N_KNOWLEDGE, D), dtype=jnp.float32) * 0.02
    return {
        "x": x,
        "memory_weights": memory_weights,
        "compress_neurons": compress_neurons,
        "knowledge_K": knowledge_K,
        "knowledge_V": knowledge_V,
    }


def reference(x, memory_weights, compress_neurons, knowledge_K, knowledge_V):
    knowledge_rank = knowledge_K.shape[1]
    # Mix compress neurons per-batch via global router weights
    shared_compress = jnp.einsum('bn,ndr->bdr', memory_weights, compress_neurons)  # [B, D, r]
    Q = jnp.einsum('bsd,bdr->bsr', x, shared_compress)  # [B, S, r]
    # knowledge_rank == rank, so query_proj is None in the original module
    scores = jnp.einsum('bsr,nr->bsn', Q, knowledge_K) / math.sqrt(knowledge_rank)  # [B, S, N]
    topk_scores, topk_idx = jax.lax.top_k(scores, KNOWLEDGE_K)  # [B, S, k]
    weights = jax.nn.softmax(topk_scores, axis=-1)  # [B, S, k]
    selected_V = jnp.take(knowledge_V, topk_idx, axis=0)  # [B, S, k, D]
    output = jnp.sum(selected_V * weights[..., None], axis=2)  # [B, S, D]
    return (output, topk_idx, weights)

if __name__ == "__main__":
    import jax
    _d = setup_inputs()
    print(jax.jit(kernel)(*tuple(_d.values())))

</pallas_src>

<mosaic_0001>
#map = affine_map<(d0, d1) -> (0, 0)>
module attributes {stable_mosaic.version = 14 : i64} {
  func.func @_combine_kernel(%arg0: i32, %arg1: i32, %arg2: memref<100000x1024xf32, #tpu.memory_space<hbm>>, %arg3: memref<32x512xi32, #tpu.memory_space<hbm>>, %arg4: memref<32x512xf32, #tpu.memory_space<hbm>>, %arg5: memref<2048x1024xf32, #tpu.memory_space<hbm>>, %arg6: memref<512xi32, #tpu.memory_space<vmem>>, %arg7: memref<512xf32, #tpu.memory_space<vmem>>, %arg8: memref<64x1024xf32, #tpu.memory_space<vmem>>, %arg9: memref<8x1024xf32, #tpu.memory_space<vmem>>, %arg10: memref<!tpu.dma_semaphore, #tpu.memory_space<semaphore_mem>>) attributes {dimension_semantics = [#tpu.dimension_semantics<core_parallel>, #tpu.dimension_semantics<subcore_parallel>], iteration_bounds = array<i64: 2, 16>, scalar_prefetch = 0 : i64, scratch_operands = 5 : i64, tpu.core_type = #tpu.core_type<sc_vector_subcore>, window_params = [{transform_indices = #map}, {transform_indices = #map}, {transform_indices = #map}, {transform_indices = #map}]} {
    %mul3A = arith.constant 2 : i32
    %mul3A_0 = arith.muli %arg1, %mul3A : i32
    %add3A = arith.addi %mul3A_0, %arg0 : i32
    "tpu.region"() ({
      %run_scoped3A = tpu.sem_alloc : memref<!tpu.dma_semaphore, #tpu.memory_space<semaphore_mem>>
      %dma_start3A = arith.constant 0 : i32
      %dma_start3A_7 = tpu.memref_slice %arg3[%add3A, %dma_start3A] : memref<32x512xi32, #tpu.memory_space<hbm>> -> memref<1x512xi32, #tpu.memory_space<hbm>>
      %dma_start3A_8 = tpu.memref_squeeze %dma_start3A_7 : memref<1x512xi32, #tpu.memory_space<hbm>> -> memref<512xi32, #tpu.memory_space<hbm>>
      %dma_start3A_9 = arith.constant 0 : i32
      %dma_start3A_10 = tpu.memref_slice %arg3[%add3A, %dma_start3A_9] : memref<32x512xi32, #tpu.memory_space<hbm>> -> memref<1x512xi32, #tpu.memory_space<hbm>>
      %dma_start3A_11 = tpu.memref_squeeze %dma_start3A_10 : memref<1x512xi32, #tpu.memory_space<hbm>> -> memref<512xi32, #tpu.memory_space<hbm>>
      tpu.enqueue_dma source(%dma_start3A_11 : memref<512xi32, #tpu.memory_space<hbm>>) target(%arg6 : memref<512xi32, #tpu.memory_space<vmem>>) target_semaphore(%run_scoped3A : memref<!tpu.dma_semaphore, #tpu.memory_space<semaphore_mem>>)
      %dma_wait3A = arith.constant 0 : i32
      %dma_wait3A_12 = tpu.memref_slice %arg3[%add3A, %dma_wait3A] : memref<32x512xi32, #tpu.memory_space<hbm>> -> memref<1x512xi32, #tpu.memory_space<hbm>>
      %dma_wait3A_13 = tpu.memref_squeeze %dma_wait3A_12 : memref<1x512xi32, #tpu.memory_space<hbm>> -> memref<512xi32, #tpu.memory_space<hbm>>
      %dma_wait3A_14 = arith.constant 0 : i32
      %dma_wait3A_15 = tpu.memref_slice %arg3[%add3A, %dma_wait3A_14] : memref<32x512xi32, #tpu.memory_space<hbm>> -> memref<1x512xi32, #tpu.memory_space<hbm>>
      %dma_wait3A_16 = tpu.memref_squeeze %dma_wait3A_15 : memref<1x512xi32, #tpu.memory_space<hbm>> -> memref<512xi32, #tpu.memory_space<hbm>>
      tpu.wait_dma2 semaphore(%run_scoped3A : memref<!tpu.dma_semaphore, #tpu.memory_space<semaphore_mem>>) src(%dma_wait3A_16 : memref<512xi32, #tpu.memory_space<hbm>>) dst(%arg6 : memref<512xi32, #tpu.memory_space<vmem>>)
      tpu.yield
    }) : () -> ()
    "tpu.region"() ({
      %run_scoped3A = tpu.sem_alloc : memref<!tpu.dma_semaphore, #tpu.memory_space<semaphore_mem>>
      %dma_start3A = arith.constant 0 : i32
      %dma_start3A_7 = tpu.memref_slice %arg4[%add3A, %dma_start3A] : memref<32x512xf32, #tpu.memory_space<hbm>> -> memref<1x512xf32, #tpu.memory_space<hbm>>
      %dma_start3A_8 = tpu.memref_squeeze %dma_start3A_7 : memref<1x512xf32, #tpu.memory_space<hbm>> -> memref<512xf32, #tpu.memory_space<hbm>>
      %dma_start3A_9 = arith.constant 0 : i32
      %dma_start3A_10 = tpu.memref_slice %arg4[%add3A, %dma_start3A_9] : memref<32x512xf32, #tpu.memory_space<hbm>> -> memref<1x512xf32, #tpu.memory_space<hbm>>
      %dma_start3A_11 = tpu.memref_squeeze %dma_start3A_10 : memref<1x512xf32, #tpu.memory_space<hbm>> -> memref<512xf32, #tpu.memory_space<hbm>>
      tpu.enqueue_dma source(%dma_start3A_11 : memref<512xf32, #tpu.memory_space<hbm>>) target(%arg7 : memref<512xf32, #tpu.memory_space<vmem>>) target_semaphore(%run_scoped3A : memref<!tpu.dma_semaphore, #tpu.memory_space<semaphore_mem>>)
      %dma_wait3A = arith.constant 0 : i32
      %dma_wait3A_12 = tpu.memref_slice %arg4[%add3A, %dma_wait3A] : memref<32x512xf32, #tpu.memory_space<hbm>> -> memref<1x512xf32, #tpu.memory_space<hbm>>
      %dma_wait3A_13 = tpu.memref_squeeze %dma_wait3A_12 : memref<1x512xf32, #tpu.memory_space<hbm>> -> memref<512xf32, #tpu.memory_space<hbm>>
      %dma_wait3A_14 = arith.constant 0 : i32
      %dma_wait3A_15 = tpu.memref_slice %arg4[%add3A, %dma_wait3A_14] : memref<32x512xf32, #tpu.memory_space<hbm>> -> memref<1x512xf32, #tpu.memory_space<hbm>>
      %dma_wait3A_16 = tpu.memref_squeeze %dma_wait3A_15 : memref<1x512xf32, #tpu.memory_space<hbm>> -> memref<512xf32, #tpu.memory_space<hbm>>
      tpu.wait_dma2 semaphore(%run_scoped3A : memref<!tpu.dma_semaphore, #tpu.memory_space<semaphore_mem>>) src(%dma_wait3A_16 : memref<512xf32, #tpu.memory_space<hbm>>) dst(%arg7 : memref<512xf32, #tpu.memory_space<vmem>>)
      tpu.yield
    }) : () -> ()
    %scan3A = arith.constant 0 : i32
    %scan3A_1 = arith.constant 0 : i32
    %scan3A_2 = arith.constant 8 : i32
    %scan3A_3 = arith.addi %scan3A_1, %scan3A_2 : i32
    %scan3A_4 = arith.constant 1 : i32
    %scan3A_5 = scf.for %scan3A_7 = %scan3A_1 to %scan3A_3 step %scan3A_4 iter_args(%scan3A_8 = %scan3A) -> (i32)  : i32 {
      %mul3A_9 = arith.constant 64 : i32
      %mul3A_10 = arith.muli %scan3A_7, %mul3A_9 : i32
      %dma_start3A = tpu.memref_slice %arg6[%mul3A_10] : memref<512xi32, #tpu.memory_space<vmem>> -> memref<64xi32, #tpu.memory_space<vmem>>
      %dma_start3A_11 = arith.constant 0 : i32
      %dma_start3A_12 = arith.constant 0 : i32
      %dma_start3A_13 = tpu.memref_slice %arg2[%dma_start3A_11, %dma_start3A_12] : memref<100000x1024xf32, #tpu.memory_space<hbm>> -> memref<100000x1024xf32, #tpu.memory_space<hbm>>
      tpu.enqueue_indirect_dma source(%dma_start3A_13 : memref<100000x1024xf32, #tpu.memory_space<hbm>>) target(%arg8 : memref<64x1024xf32, #tpu.memory_space<vmem>>) offsets(%dma_start3A : memref<64xi32, #tpu.memory_space<vmem>>) semaphore(%arg10 : memref<!tpu.dma_semaphore, #tpu.memory_space<semaphore_mem>>)
      %dma_wait3A = tpu.memref_slice %arg6[%mul3A_10] : memref<512xi32, #tpu.memory_space<vmem>> -> memref<64xi32, #tpu.memory_space<vmem>>
      %dma_wait3A_14 = arith.constant 0 : i32
      %dma_wait3A_15 = arith.constant 0 : i32
      %dma_wait3A_16 = tpu.memref_slice %arg2[%dma_wait3A_14, %dma_wait3A_15] : memref<100000x1024xf32, #tpu.memory_space<hbm>> -> memref<100000x1024xf32, #tpu.memory_space<hbm>>
      tpu.wait_indirect_dma semaphore(%arg10 : memref<!tpu.dma_semaphore, #tpu.memory_space<semaphore_mem>>) src(%dma_wait3A_16 : memref<100000x1024xf32, #tpu.memory_space<hbm>>) dst(%arg8 : memref<64x1024xf32, #tpu.memory_space<vmem>>)
      %add3A_17 = arith.constant 0 : i32
      %add3A_18 = arith.addi %mul3A_10, %add3A_17 : i32
      %get3A = arith.index_cast %add3A_18 : i32 to index
      %get3A_19 = tpu.vector_load %arg7[%get3A] {strides = array<i32>} : memref<512xf32, #tpu.memory_space<vmem>>, vector<16xf32>,
      %get3A_20 = vector.shape_cast %get3A_19 : vector<16xf32> to vector<16xf32>
      %broadcast_in_dim3A = arith.constant 0 : i32
      %broadcast_in_dim3A_21 = vector.broadcast %broadcast_in_dim3A : i32 to vector<16x1xi32>
      %gather3A = vector.shape_cast %broadcast_in_dim3A_21 : vector<16x1xi32> to vector<16xi32>
      %gather3A_22 = tpu.dynamic_gather %get3A_20[%gather3A] in [0] : vector<16xf32>, vector<16xi32> -> vector<16xf32>
      %broadcast_in_dim3A_23 = arith.constant 1 : i32
      %broadcast_in_dim3A_24 = vector.broadcast %broadcast_in_dim3A_23 : i32 to vector<16x1xi32>
      %gather3A_25 = vector.shape_cast %broadcast_in_dim3A_24 : vector<16x1xi32> to vector<16xi32>
      %gather3A_26 = tpu.dynamic_gather %get3A_20[%gather3A_25] in [0] : vector<16xf32>, vector<16xi32> -> vector<16xf32>
      %broadcast_in_dim3A_27 = arith.constant 2 : i32
      %broadcast_in_dim3A_28 = vector.broadcast %broadcast_in_dim3A_27 : i32 to vector<16x1xi32>
      %gather3A_29 = vector.shape_cast %broadcast_in_dim3A_28 : vector<16x1xi32> to vector<16xi32>
      %gather3A_30 = tpu.dynamic_gather %get3A_20[%gather3A_29] in [0] : vector<16xf32>, vector<16xi32> -> vector<16xf32>
      %broadcast_in_dim3A_31 = arith.constant 3 : i32
      %broadcast_in_dim3A_32 = vector.broadcast %broadcast_in_dim3A_31 : i32 to vector<16x1xi32>
      %gather3A_33 = vector.shape_cast %broadcast_in_dim3A_32 : vector<16x1xi32> to vector<16xi32>
      %gather3A_34 = tpu.dynamic_gather %get3A_20[%gather3A_33] in [0] : vector<16xf32>, vector<16xi32> -> vector<16xf32>
      %broadcast_in_dim3A_35 = arith.constant 4 : i32
      %broadcast_in_dim3A_36 = vector.broadcast %broadcast_in_dim3A_35 : i32 to vector<16x1xi32>
      %gather3A_37 = vector.shape_cast %broadcast_in_dim3A_36 : vector<16x1xi32> to vector<16xi32>
      %gather3A_38 = tpu.dynamic_gather %get3A_20[%gather3A_37] in [0] : vector<16xf32>, vector<16xi32> -> vector<16xf32>
      %broadcast_in_dim3A_39 = arith.constant 5 : i32
      %broadcast_in_dim3A_40 = vector.broadcast %broadcast_in_dim3A_39 : i32 to vector<16x1xi32>
      %gather3A_41 = vector.shape_cast %broadcast_in_dim3A_40 : vector<16x1xi32> to vector<16xi32>
      %gather3A_42 = tpu.dynamic_gather %get3A_20[%gather3A_41] in [0] : vector<16xf32>, vector<16xi32> -> vector<16xf32>
      %broadcast_in_dim3A_43 = arith.constant 6 : i32
      %broadcast_in_dim3A_44 = vector.broadcast %broadcast_in_dim3A_43 : i32 to vector<16x1xi32>
      %gather3A_45 = vector.shape_cast %broadcast_in_dim3A_44 : vector<16x1xi32> to vector<16xi32>
      %gather3A_46 = tpu.dynamic_gather %get3A_20[%gather3A_45] in [0] : vector<16xf32>, vector<16xi32> -> vector<16xf32>
      %broadcast_in_dim3A_47 = arith.constant 7 : i32
      %broadcast_in_dim3A_48 = vector.broadcast %broadcast_in_dim3A_47 : i32 to vector<16x1xi32>
      %gather3A_49 = vector.shape_cast %broadcast_in_dim3A_48 : vector<16x1xi32> to vector<16xi32>
      %gather3A_50 = tpu.dynamic_gather %get3A_20[%gather3A_49] in [0] : vector<16xf32>, vector<16xi32> -> vector<16xf32>
      %broadcast_in_dim3A_51 = arith.constant 8 : i32
      %broadcast_in_dim3A_52 = vector.broadcast %broadcast_in_dim3A_51 : i32 to vector<16x1xi32>
      %gather3A_53 = vector.shape_cast %broadcast_in_dim3A_52 : vector<16x1xi32> to vector<16xi32>
      %gather3A_54 = tpu.dynamic_gather %get3A_20[%gather3A_53] in [0] : vector<16xf32>, vector<16xi32> -> vector<16xf32>
      %broadcast_in_dim3A_55 = arith.constant 9 : i32
      %broadcast_in_dim3A_56 = vector.broadcast %broadcast_in_dim3A_55 : i32 to vector<16x1xi32>
      %gather3A_57 = vector.shape_cast %broadcast_in_dim3A_56 : vector<16x1xi32> to vector<16xi32>
      %gather3A_58 = tpu.dynamic_gather %get3A_20[%gather3A_57] in [0] : vector<16xf32>, vector<16xi32> -> vector<16xf32>
      %broadcast_in_dim3A_59 = arith.constant 10 : i32
      %broadcast_in_dim3A_60 = vector.broadcast %broadcast_in_dim3A_59 : i32 to vector<16x1xi32>
      %gather3A_61 = vector.shape_cast %broadcast_in_dim3A_60 : vector<16x1xi32> to vector<16xi32>
      %gather3A_62 = tpu.dynamic_gather %get3A_20[%gather3A_61] in [0] : vector<16xf32>, vector<16xi32> -> vector<16xf32>
      %broadcast_in_dim3A_63 = arith.constant 11 : i32
      %broadcast_in_dim3A_64 = vector.broadcast %broadcast_in_dim3A_63 : i32 to vector<16x1xi32>
      %gather3A_65 = vector.shape_cast %broadcast_in_dim3A_64 : vector<16x1xi32> to vector<16xi32>
      %gather3A_66 = tpu.dynamic_gather %get3A_20[%gather3A_65] in [0] : vector<16xf32>, vector<16xi32> -> vector<16xf32>
      %broadcast_in_dim3A_67 = arith.constant 12 : i32
      %broadcast_in_dim3A_68 = vector.broadcast %broadcast_in_dim3A_67 : i32 to vector<16x1xi32>
      %gather3A_69 = vector.shape_cast %broadcast_in_dim3A_68 : vector<16x1xi32> to vector<16xi32>
      %gather3A_70 = tpu.dynamic_gather %get3A_20[%gather3A_69] in [0] : vector<16xf32>, vector<16xi32> -> vector<16xf32>
      %broadcast_in_dim3A_71 = arith.constant 13 : i32
      %broadcast_in_dim3A_72 = vector.broadcast %broadcast_in_dim3A_71 : i32 to vector<16x1xi32>
      %gather3A_73 = vector.shape_cast %broadcast_in_dim3A_72 : vector<16x1xi32> to vector<16xi32>
      %gather3A_74 = tpu.dynamic_gather %get3A_20[%gather3A_73] in [0] : vector<16xf32>, vector<16xi32> -> vector<16xf32>
      %broadcast_in_dim3A_75 = arith.constant 14 : i32
      %broadcast_in_dim3A_76 = vector.broadcast %broadcast_in_dim3A_75 : i32 to vector<16x1xi32>
      %gather3A_77 = vector.shape_cast %broadcast_in_dim3A_76 : vector<16x1xi32> to vector<16xi32>
      %gather3A_78 = tpu.dynamic_gather %get3A_20[%gather3A_77] in [0] : vector<16xf32>, vector<16xi32> -> vector<16xf32>
      %broadcast_in_dim3A_79 = arith.constant 15 : i32
      %broadcast_in_dim3A_80 = vector.broadcast %broadcast_in_dim3A_79 : i32 to vector<16x1xi32>
      %gather3A_81 = vector.shape_cast %broadcast_in_dim3A_80 : vector<16x1xi32> to vector<16xi32>
      %gather3A_82 = tpu.dynamic_gather %get3A_20[%gather3A_81] in [0] : vector<16xf32>, vector<16xi32> -> vector<16xf32>
      %scan3A_83 = arith.constant 0 : i32
      %scan3A_84 = arith.constant 0 : i32
      %scan3A_85 = arith.constant 64 : i32
      %scan3A_86 = arith.addi %scan3A_84, %scan3A_85 : i32
      %scan3A_87 = arith.constant 1 : i32
      %scan3A_88 = scf.for %scan3A_324 = %scan3A_84 to %scan3A_86 step %scan3A_87 iter_args(%scan3A_325 = %scan3A_83) -> (i32)  : i32 {
        %mul3A_326 = arith.constant 16 : i32
        %mul3A_327 = arith.muli %scan3A_324, %mul3A_326 : i32
        %get3A_328 = arith.constant 0 : i32
        %get3A_329 = arith.index_cast %get3A_328 : i32 to index
        %get3A_330 = arith.index_cast %mul3A_327 : i32 to index
        %get3A_331 = tpu.vector_load %arg8[%get3A_329, %get3A_330] {strides = array<i32>} : memref<64x1024xf32, #tpu.memory_space<vmem>>, vector<1x16xf32>,
        %get3A_332 = vector.shape_cast %get3A_331 : vector<1x16xf32> to vector<16xf32>
        %mul3A_333 = arith.mulf %gather3A_22, %get3A_332 : vector<16xf32>
        %get3A_334 = arith.constant 8 : i32
        %get3A_335 = arith.index_cast %get3A_334 : i32 to index
        %get3A_336 = arith.index_cast %mul3A_327 : i32 to index
        %get3A_337 = tpu.vector_load %arg8[%get3A_335, %get3A_336] {strides = array<i32>} : memref<64x1024xf32, #tpu.memory_space<vmem>>, vector<1x16xf32>,
        %get3A_338 = vector.shape_cast %get3A_337 : vector<1x16xf32> to vector<16xf32>
        %mul3A_339 = arith.mulf %gather3A_54, %get3A_338 : vector<16xf32>
        %get3A_340 = arith.constant 1 : i32
        %get3A_341 = arith.index_cast %get3A_340 : i32 to index
        %get3A_342 = arith.index_cast %mul3A_327 : i32 to index
        %get3A_343 = tpu.vector_load %arg8[%get3A_341, %get3A_342] {strides = array<i32>} : memref<64x1024xf32, #tpu.memory_space<vmem>>, vector<1x16xf32>,
        %get3A_344 = vector.shape_cast %get3A_343 : vector<1x16xf32> to vector<16xf32>
        %mul3A_345 = arith.mulf %gather3A_26, %get3A_344 : vector<16xf32>
        %add3A_346 = arith.addf %mul3A_333, %mul3A_345 : vector<16xf32>
        %get3A_347 = arith.constant 9 : i32
        %get3A_348 = arith.index_cast %get3A_347 : i32 to index
        %get3A_349 = arith.index_cast %mul3A_327 : i32 to index
        %get3A_350 = tpu.vector_load %arg8[%get3A_348, %get3A_349] {strides = array<i32>} : memref<64x1024xf32, #tpu.memory_space<vmem>>, vector<1x16xf32>,
        %get3A_351 = vector.shape_cast %get3A_350 : vector<1x16xf32> to vector<16xf32>
        %mul3A_352 = arith.mulf %gather3A_58, %get3A_351 : vector<16xf32>
        %add3A_353 = arith.addf %mul3A_339, %mul3A_352 : vector<16xf32>
        %get3A_354 = arith.constant 2 : i32
        %get3A_355 = arith.index_cast %get3A_354 : i32 to index
        %get3A_356 = arith.index_cast %mul3A_327 : i32 to index
        %get3A_357 = tpu.vector_load %arg8[%get3A_355, %get3A_356] {strides = array<i32>} : memref<64x1024xf32, #tpu.memory_space<vmem>>, vector<1x16xf32>,
        %get3A_358 = vector.shape_cast %get3A_357 : vector<1x16xf32> to vector<16xf32>
        %mul3A_359 = arith.mulf %gather3A_30, %get3A_358 : vector<16xf32>
        %add3A_360 = arith.addf %add3A_346, %mul3A_359 : vector<16xf32>
        %get3A_361 = arith.constant 10 : i32
        %get3A_362 = arith.index_cast %get3A_361 : i32 to index
        %get3A_363 = arith.index_cast %mul3A_327 : i32 to index
        %get3A_364 = tpu.vector_load %arg8[%get3A_362, %get3A_363] {strides = array<i32>} : memref<64x1024xf32, #tpu.memory_space<vmem>>, vector<1x16xf32>,
        %get3A_365 = vector.shape_cast %get3A_364 : vector<1x16xf32> to vector<16xf32>
        %mul3A_366 = arith.mulf %gather3A_62, %get3A_365 : vector<16xf32>
        %add3A_367 = arith.addf %add3A_353, %mul3A_366 : vector<16xf32>
        %get3A_368 = arith.constant 3 : i32
        %get3A_369 = arith.index_cast %get3A_368 : i32 to index
        %get3A_370 = arith.index_cast %mul3A_327 : i32 to index
        %get3A_371 = tpu.vector_load %arg8[%get3A_369, %get3A_370] {strides = array<i32>} : memref<64x1024xf32, #tpu.memory_space<vmem>>, vector<1x16xf32>,
        %get3A_372 = vector.shape_cast %get3A_371 : vector<1x16xf32> to vector<16xf32>
        %mul3A_373 = arith.mulf %gather3A_34, %get3A_372 : vector<16xf32>
        %add3A_374 = arith.addf %add3A_360, %mul3A_373 : vector<16xf32>
        %get3A_375 = arith.constant 11 : i32
        %get3A_376 = arith.index_cast %get3A_375 : i32 to index
        %get3A_377 = arith.index_cast %mul3A_327 : i32 to index
        %get3A_378 = tpu.vector_load %arg8[%get3A_376, %get3A_377] {strides = array<i32>} : memref<64x1024xf32, #tpu.memory_space<vmem>>, vector<1x16xf32>,
        %get3A_379 = vector.shape_cast %get3A_378 : vector<1x16xf32> to vector<16xf32>
        %mul3A_380 = arith.mulf %gather3A_66, %get3A_379 : vector<16xf32>
        %add3A_381 = arith.addf %add3A_367, %mul3A_380 : vector<16xf32>
        %get3A_382 = arith.constant 4 : i32
        %get3A_383 = arith.index_cast %get3A_382 : i32 to index
        %get3A_384 = arith.index_cast %mul3A_327 : i32 to index
        %get3A_385 = tpu.vector_load %arg8[%get3A_383, %get3A_384] {strides = array<i32>} : memref<64x1024xf32, #tpu.memory_space<vmem>>, vector<1x16xf32>,
        %get3A_386 = vector.shape_cast %get3A_385 : vector<1x16xf32> to vector<16xf32>
        %mul3A_387 = arith.mulf %gather3A_38, %get3A_386 : vector<16xf32>
        %add3A_388 = arith.addf %add3A_374, %mul3A_387 : vector<16xf32>
        %get3A_389 = arith.constant 12 : i32
        %get3A_390 = arith.index_cast %get3A_389 : i32 to index
        %get3A_391 = arith.index_cast %mul3A_327 : i32 to index
        %get3A_392 = tpu.vector_load %arg8[%get3A_390, %get3A_391] {strides = array<i32>} : memref<64x1024xf32, #tpu.memory_space<vmem>>, vector<1x16xf32>,
        %get3A_393 = vector.shape_cast %get3A_392 : vector<1x16xf32> to vector<16xf32>
        %mul3A_394 = arith.mulf %gather3A_70, %get3A_393 : vector<16xf32>
        %add3A_395 = arith.addf %add3A_381, %mul3A_394 : vector<16xf32>
        %get3A_396 = arith.constant 5 : i32
        %get3A_397 = arith.index_cast %get3A_396 : i32 to index
        %get3A_398 = arith.index_cast %mul3A_327 : i32 to index
        %get3A_399 = tpu.vector_load %arg8[%get3A_397, %get3A_398] {strides = array<i32>} : memref<64x1024xf32, #tpu.memory_space<vmem>>, vector<1x16xf32>,
        %get3A_400 = vector.shape_cast %get3A_399 : vector<1x16xf32> to vector<16xf32>
        %mul3A_401 = arith.mulf %gather3A_42, %get3A_400 : vector<16xf32>
        %add3A_402 = arith.addf %add3A_388, %mul3A_401 : vector<16xf32>
        %get3A_403 = arith.constant 13 : i32
        %get3A_404 = arith.index_cast %get3A_403 : i32 to index
        %get3A_405 = arith.index_cast %mul3A_327 : i32 to index
        %get3A_406 = tpu.vector_load %arg8[%get3A_404, %get3A_405] {strides = array<i32>} : memref<64x1024xf32, #tpu.memory_space<vmem>>, vector<1x16xf32>,
        %get3A_407 = vector.shape_cast %get3A_406 : vector<1x16xf32> to vector<16xf32>
        %mul3A_408 = arith.mulf %gather3A_74, %get3A_407 : vector<16xf32>
        %add3A_409 = arith.addf %add3A_395, %mul3A_408 : vector<16xf32>
        %get3A_410 = arith.constant 6 : i32
        %get3A_411 = arith.index_cast %get3A_410 : i32 to index
        %get3A_412 = arith.index_cast %mul3A_327 : i32 to index
        %get3A_413 = tpu.vector_load %arg8[%get3A_411, %get3A_412] {strides = array<i32>} : memref<64x1024xf32, #tpu.memory_space<vmem>>, vector<1x16xf32>,
        %get3A_414 = vector.shape_cast %get3A_413 : vector<1x16xf32> to vector<16xf32>
        %mul3A_415 = arith.mulf %gather3A_46, %get3A_414 : vector<16xf32>
        %add3A_416 = arith.addf %add3A_402, %mul3A_415 : vector<16xf32>
        %get3A_417 = arith.constant 14 : i32
        %get3A_418 = arith.index_cast %get3A_417 : i32 to index
        %get3A_419 = arith.index_cast %mul3A_327 : i32 to index
        %get3A_420 = tpu.vector_load %arg8[%get3A_418, %get3A_419] {strides = array<i32>} : memref<64x1024xf32, #tpu.memory_space<vmem>>, vector<1x16xf32>,
        %get3A_421 = vector.shape_cast %get3A_420 : vector<1x16xf32> to vector<16xf32>
        %mul3A_422 = arith.mulf %gather3A_78, %get3A_421 : vector<16xf32>
        %add3A_423 = arith.addf %add3A_409, %mul3A_422 : vector<16xf32>
        %get3A_424 = arith.constant 7 : i32
        %get3A_425 = arith.index_cast %get3A_424 : i32 to index
        %get3A_426 = arith.index_cast %mul3A_327 : i32 to index
        %get3A_427 = tpu.vector_load %arg8[%get3A_425, %get3A_426] {strides = array<i32>} : memref<64x1024xf32, #tpu.memory_space<vmem>>, vector<1x16xf32>,
        %get3A_428 = vector.shape_cast %get3A_427 : vector<1x16xf32> to vector<16xf32>
        %mul3A_429 = arith.mulf %gather3A_50, %get3A_428 : vector<16xf32>
        %add3A_430 = arith.addf %add3A_416, %mul3A_429 : vector<16xf32>
        %get3A_431 = arith.constant 15 : i32
        %get3A_432 = arith.index_cast %get3A_431 : i32 to index
        %get3A_433 = arith.index_cast %mul3A_327 : i32 to index
        %get3A_434 = tpu.vector_load %arg8[%get3A_432, %get3A_433] {strides = array<i32>} : memref<64x1024xf32, #tpu.memory_space<vmem>>, vector<1x16xf32>,
        %get3A_435 = vector.shape_cast %get3A_434 : vector<1x16xf32> to vector<16xf32>
        %mul3A_436 = arith.mulf %gather3A_82, %get3A_435 : vector<16xf32>
        %add3A_437 = arith.addf %add3A_423, %mul3A_436 : vector<16xf32>
        %swap3A = arith.constant 0 : i32
        %swap3A_438 = arith.index_cast %swap3A : i32 to index
        %swap3A_439 = arith.index_cast %mul3A_327 : i32 to index
        %swap3A_440 = tpu.vector_load %arg9[%swap3A_438, %swap3A_439] {strides = array<i32>} : memref<8x1024xf32, #tpu.memory_space<vmem>>, vector<1x16xf32>,
        %swap3A_441 = vector.shape_cast %swap3A_440 : vector<1x16xf32> to vector<16xf32>
        %swap3A_442 = vector.shape_cast %add3A_430 : vector<16xf32> to vector<1x16xf32>
        tpu.vector_store %arg9[%swap3A_438, %swap3A_439], %swap3A_442 {strides = array<i32>} : memref<8x1024xf32, #tpu.memory_space<vmem>>, vector<1x16xf32>,
        %swap3A_443 = arith.constant 1 : i32
        %swap3A_444 = arith.index_cast %swap3A_443 : i32 to index
        %swap3A_445 = arith.index_cast %mul3A_327 : i32 to index
        %swap3A_446 = tpu.vector_load %arg9[%swap3A_444, %swap3A_445] {strides = array<i32>} : memref<8x1024xf32, #tpu.memory_space<vmem>>, vector<1x16xf32>,
        %swap3A_447 = vector.shape_cast %swap3A_446 : vector<1x16xf32> to vector<16xf32>
        %swap3A_448 = vector.shape_cast %add3A_437 : vector<16xf32> to vector<1x16xf32>
        tpu.vector_store %arg9[%swap3A_444, %swap3A_445], %swap3A_448 {strides = array<i32>} : memref<8x1024xf32, #tpu.memory_space<vmem>>, vector<1x16xf32>,
        %scan3A_449 = arith.constant 0 : i32
        scf.yield %scan3A_449 : i32
      }
      %scan3A_89 = arith.constant 64 : i32
      %add3A_90 = arith.constant 16 : i32
      %add3A_91 = arith.addi %mul3A_10, %add3A_90 : i32
      %get3A_92 = arith.index_cast %add3A_91 : i32 to index
      %get3A_93 = tpu.vector_load %arg7[%get3A_92] {strides = array<i32>} : memref<512xf32, #tpu.memory_space<vmem>>, vector<16xf32>,
      %get3A_94 = vector.shape_cast %get3A_93 : vector<16xf32> to vector<16xf32>
      %broadcast_in_dim3A_95 = arith.constant 0 : i32
      %broadcast_in_dim3A_96 = vector.broadcast %broadcast_in_dim3A_95 : i32 to vector<16x1xi32>
      %gather3A_97 = vector.shape_cast %broadcast_in_dim3A_96 : vector<16x1xi32> to vector<16xi32>
      %gather3A_98 = tpu.dynamic_gather %get3A_94[%gather3A_97] in [0] : vector<16xf32>, vector<16xi32> -> vector<16xf32>
      %broadcast_in_dim3A_99 = arith.constant 1 : i32
      %broadcast_in_dim3A_100 = vector.broadcast %broadcast_in_dim3A_99 : i32 to vector<16x1xi32>
      %gather3A_101 = vector.shape_cast %broadcast_in_dim3A_100 : vector<16x1xi32> to vector<16xi32>
      %gather3A_102 = tpu.dynamic_gather %get3A_94[%gather3A_101] in [0] : vector<16xf32>, vector<16xi32> -> vector<16xf32>
      %broadcast_in_dim3A_103 = arith.constant 2 : i32
      %broadcast_in_dim3A_104 = vector.broadcast %broadcast_in_dim3A_103 : i32 to vector<16x1xi32>
      %gather3A_105 = vector.shape_cast %broadcast_in_dim3A_104 : vector<16x1xi32> to vector<16xi32>
      %gather3A_106 = tpu.dynamic_gather %get3A_94[%gather3A_105] in [0] : vector<16xf32>, vector<16xi32> -> vector<16xf32>
      %broadcast_in_dim3A_107 = arith.constant 3 : i32
      %broadcast_in_dim3A_108 = vector.broadcast %broadcast_in_dim3A_107 : i32 to vector<16x1xi32>
      %gather3A_109 = vector.shape_cast %broadcast_in_dim3A_108 : vector<16x1xi32> to vector<16xi32>
      %gather3A_110 = tpu.dynamic_gather %get3A_94[%gather3A_109] in [0] : vector<16xf32>, vector<16xi32> -> vector<16xf32>
      %broadcast_in_dim3A_111 = arith.constant 4 : i32
      %broadcast_in_dim3A_112 = vector.broadcast %broadcast_in_dim3A_111 : i32 to vector<16x1xi32>
      %gather3A_113 = vector.shape_cast %broadcast_in_dim3A_112 : vector<16x1xi32> to vector<16xi32>
      %gather3A_114 = tpu.dynamic_gather %get3A_94[%gather3A_113] in [0] : vector<16xf32>, vector<16xi32> -> vector<16xf32>
      %broadcast_in_dim3A_115 = arith.constant 5 : i32
      %broadcast_in_dim3A_116 = vector.broadcast %broadcast_in_dim3A_115 : i32 to vector<16x1xi32>
      %gather3A_117 = vector.shape_cast %broadcast_in_dim3A_116 : vector<16x1xi32> to vector<16xi32>
      %gather3A_118 = tpu.dynamic_gather %get3A_94[%gather3A_117] in [0] : vector<16xf32>, vector<16xi32> -> vector<16xf32>
      %broadcast_in_dim3A_119 = arith.constant 6 : i32
      %broadcast_in_dim3A_120 = vector.broadcast %broadcast_in_dim3A_119 : i32 to vector<16x1xi32>
      %gather3A_121 = vector.shape_cast %broadcast_in_dim3A_120 : vector<16x1xi32> to vector<16xi32>
      %gather3A_122 = tpu.dynamic_gather %get3A_94[%gather3A_121] in [0] : vector<16xf32>, vector<16xi32> -> vector<16xf32>
      %broadcast_in_dim3A_123 = arith.constant 7 : i32
      %broadcast_in_dim3A_124 = vector.broadcast %broadcast_in_dim3A_123 : i32 to vector<16x1xi32>
      %gather3A_125 = vector.shape_cast %broadcast_in_dim3A_124 : vector<16x1xi32> to vector<16xi32>
      %gather3A_126 = tpu.dynamic_gather %get3A_94[%gather3A_125] in [0] : vector<16xf32>, vector<16xi32> -> vector<16xf32>
      %broadcast_in_dim3A_127 = arith.constant 8 : i32
      %broadcast_in_dim3A_128 = vector.broadcast %broadcast_in_dim3A_127 : i32 to vector<16x1xi32>
      %gather3A_129 = vector.shape_cast %broadcast_in_dim3A_128 : vector<16x1xi32> to vector<16xi32>
      %gather3A_130 = tpu.dynamic_gather %get3A_94[%gather3A_129] in [0] : vector<16xf32>, vector<16xi32> -> vector<16xf32>
      %broadcast_in_dim3A_131 = arith.constant 9 : i32
      %broadcast_in_dim3A_132 = vector.broadcast %broadcast_in_dim3A_131 : i32 to vector<16x1xi32>
      %gather3A_133 = vector.shape_cast %broadcast_in_dim3A_132 : vector<16x1xi32> to vector<16xi32>
      %gather3A_134 = tpu.dynamic_gather %get3A_94[%gather3A_133] in [0] : vector<16xf32>, vector<16xi32> -> vector<16xf32>
      %broadcast_in_dim3A_135 = arith.constant 10 : i32
      %broadcast_in_dim3A_136 = vector.broadcast %broadcast_in_dim3A_135 : i32 to vector<16x1xi32>
      %gather3A_137 = vector.shape_cast %broadcast_in_dim3A_136 : vector<16x1xi32> to vector<16xi32>
      %gather3A_138 = tpu.dynamic_gather %get3A_94[%gather3A_137] in [0] : vector<16xf32>, vector<16xi32> -> vector<16xf32>
      %broadcast_in_dim3A_139 = arith.constant 11 : i32
      %broadcast_in_dim3A_140 = vector.broadcast %broadcast_in_dim3A_139 : i32 to vector<16x1xi32>
      %gather3A_141 = vector.shape_cast %broadcast_in_dim3A_140 : vector<16x1xi32> to vector<16xi32>
      %gather3A_142 = tpu.dynamic_gather %get3A_94[%gather3A_141] in [0] : vector<16xf32>, vector<16xi32> -> vector<16xf32>
      %broadcast_in_dim3A_143 = arith.constant 12 : i32
      %broadcast_in_dim3A_144 = vector.broadcast %broadcast_in_dim3A_143 : i32 to vector<16x1xi32>
      %gather3A_145 = vector.shape_cast %broadcast_in_dim3A_144 : vector<16x1xi32> to vector<16xi32>
      %gather3A_146 = tpu.dynamic_gather %get3A_94[%gather3A_145] in [0] : vector<16xf32>, vector<16xi32> -> vector<16xf32>
      %broadcast_in_dim3A_147 = arith.constant 13 : i32
      %broadcast_in_dim3A_148 = vector.broadcast %broadcast_in_dim3A_147 : i32 to vector<16x1xi32>
      %gather3A_149 = vector.shape_cast %broadcast_in_dim3A_148 : vector<16x1xi32> to vector<16xi32>
      %gather3A_150 = tpu.dynamic_gather %get3A_94[%gather3A_149] in [0] : vector<16xf32>, vector<16xi32> -> vector<16xf32>
      %broadcast_in_dim3A_151 = arith.constant 14 : i32
      %broadcast_in_dim3A_152 = vector.broadcast %broadcast_in_dim3A_151 : i32 to vector<16x1xi32>
      %gather3A_153 = vector.shape_cast %broadcast_in_dim3A_152 : vector<16x1xi32> to vector<16xi32>
      %gather3A_154 = tpu.dynamic_gather %get3A_94[%gather3A_153] in [0] : vector<16xf32>, vector<16xi32> -> vector<16xf32>
      %broadcast_in_dim3A_155 = arith.constant 15 : i32
      %broadcast_in_dim3A_156 = vector.broadcast %broadcast_in_dim3A_155 : i32 to vector<16x1xi32>
      %gather3A_157 = vector.shape_cast %broadcast_in_dim3A_156 : vector<16x1xi32> to vector<16xi32>
      %gather3A_158 = tpu.dynamic_gather %get3A_94[%gather3A_157] in [0] : vector<16xf32>, vector<16xi32> -> vector<16xf32>
      %scan3A_159 = arith.constant 0 : i32
      %scan3A_160 = arith.constant 0 : i32
      %scan3A_161 = arith.constant 64 : i32
      %scan3A_162 = arith.addi %scan3A_160, %scan3A_161 : i32
      %scan3A_163 = arith.constant 1 : i32
      %scan3A_164 = scf.for %scan3A_324 = %scan3A_160 to %scan3A_162 step %scan3A_163 iter_args(%scan3A_325 = %scan3A_159) -> (i32)  : i32 {
        %mul3A_326 = arith.constant 16 : i32
        %mul3A_327 = arith.muli %scan3A_324, %mul3A_326 : i32
        %get3A_328 = arith.constant 16 : i32
        %get3A_329 = arith.index_cast %get3A_328 : i32 to index
        %get3A_330 = arith.index_cast %mul3A_327 : i32 to index
        %get3A_331 = tpu.vector_load %arg8[%get3A_329, %get3A_330] {strides = array<i32>} : memref<64x1024xf32, #tpu.memory_space<vmem>>, vector<1x16xf32>,
        %get3A_332 = vector.shape_cast %get3A_331 : vector<1x16xf32> to vector<16xf32>
        %mul3A_333 = arith.mulf %gather3A_98, %get3A_332 : vector<16xf32>
        %get3A_334 = arith.constant 24 : i32
        %get3A_335 = arith.index_cast %get3A_334 : i32 to index
        %get3A_336 = arith.index_cast %mul3A_327 : i32 to index
        %get3A_337 = tpu.vector_load %arg8[%get3A_335, %get3A_336] {strides = array<i32>} : memref<64x1024xf32, #tpu.memory_space<vmem>>, vector<1x16xf32>,
        %get3A_338 = vector.shape_cast %get3A_337 : vector<1x16xf32> to vector<16xf32>
        %mul3A_339 = arith.mulf %gather3A_130, %get3A_338 : vector<16xf32>
        %get3A_340 = arith.constant 17 : i32
        %get3A_341 = arith.index_cast %get3A_340 : i32 to index
        %get3A_342 = arith.index_cast %mul3A_327 : i32 to index
        %get3A_343 = tpu.vector_load %arg8[%get3A_341, %get3A_342] {strides = array<i32>} : memref<64x1024xf32, #tpu.memory_space<vmem>>, vector<1x16xf32>,
        %get3A_344 = vector.shape_cast %get3A_343 : vector<1x16xf32> to vector<16xf32>
        %mul3A_345 = arith.mulf %gather3A_102, %get3A_344 : vector<16xf32>
        %add3A_346 = arith.addf %mul3A_333, %mul3A_345 : vector<16xf32>
        %get3A_347 = arith.constant 25 : i32
        %get3A_348 = arith.index_cast %get3A_347 : i32 to index
        %get3A_349 = arith.index_cast %mul3A_327 : i32 to index
        %get3A_350 = tpu.vector_load %arg8[%get3A_348, %get3A_349] {strides = array<i32>} : memref<64x1024xf32, #tpu.memory_space<vmem>>, vector<1x16xf32>,
        %get3A_351 = vector.shape_cast %get3A_350 : vector<1x16xf32> to vector<16xf32>
        %mul3A_352 = arith.mulf %gather3A_134, %get3A_351 : vector<16xf32>
        %add3A_353 = arith.addf %mul3A_339, %mul3A_352 : vector<16xf32>
        %get3A_354 = arith.constant 18 : i32
        %get3A_355 = arith.index_cast %get3A_354 : i32 to index
        %get3A_356 = arith.index_cast %mul3A_327 : i32 to index
        %get3A_357 = tpu.vector_load %arg8[%get3A_355, %get3A_356] {strides = array<i32>} : memref<64x1024xf32, #tpu.memory_space<vmem>>, vector<1x16xf32>,
        %get3A_358 = vector.shape_cast %get3A_357 : vector<1x16xf32> to vector<16xf32>
        %mul3A_359 = arith.mulf %gather3A_106, %get3A_358 : vector<16xf32>
        %add3A_360 = arith.addf %add3A_346, %mul3A_359 : vector<16xf32>
        %get3A_361 = arith.constant 26 : i32
        %get3A_362 = arith.index_cast %get3A_361 : i32 to index
        %get3A_363 = arith.index_cast %mul3A_327 : i32 to index
        %get3A_364 = tpu.vector_load %arg8[%get3A_362, %get3A_363] {strides = array<i32>} : memref<64x1024xf32, #tpu.memory_space<vmem>>, vector<1x16xf32>,
        %get3A_365 = vector.shape_cast %get3A_364 : vector<1x16xf32> to vector<16xf32>
        %mul3A_366 = arith.mulf %gather3A_138, %get3A_365 : vector<16xf32>
        %add3A_367 = arith.addf %add3A_353, %mul3A_366 : vector<16xf32>
        %get3A_368 = arith.constant 19 : i32
        %get3A_369 = arith.index_cast %get3A_368 : i32 to index
        %get3A_370 = arith.index_cast %mul3A_327 : i32 to index
        %get3A_371 = tpu.vector_load %arg8[%get3A_369, %get3A_370] {strides = array<i32>} : memref<64x1024xf32, #tpu.memory_space<vmem>>, vector<1x16xf32>,
        %get3A_372 = vector.shape_cast %get3A_371 : vector<1x16xf32> to vector<16xf32>
        %mul3A_373 = arith.mulf %gather3A_110, %get3A_372 : vector<16xf32>
        %add3A_374 = arith.addf %add3A_360, %mul3A_373 : vector<16xf32>
        %get3A_375 = arith.constant 27 : i32
        %get3A_376 = arith.index_cast %get3A_375 : i32 to index
        %get3A_377 = arith.index_cast %mul3A_327 : i32 to index
        %get3A_378 = tpu.vector_load %arg8[%get3A_376, %get3A_377] {strides = array<i32>} : memref<64x1024xf32, #tpu.memory_space<vmem>>, vector<1x16xf32>,
        %get3A_379 = vector.shape_cast %get3A_378 : vector<1x16xf32> to vector<16xf32>
        %mul3A_380 = arith.mulf %gather3A_142, %get3A_379 : vector<16xf32>
        %add3A_381 = arith.addf %add3A_367, %mul3A_380 : vector<16xf32>
        %get3A_382 = arith.constant 20 : i32
        %get3A_383 = arith.index_cast %get3A_382 : i32 to index
        %get3A_384 = arith.index_cast %mul3A_327 : i32 to index
        %get3A_385 = tpu.vector_load %arg8[%get3A_383, %get3A_384] {strides = array<i32>} : memref<64x1024xf32, #tpu.memory_space<vmem>>, vector<1x16xf32>,
        %get3A_386 = vector.shape_cast %get3A_385 : vector<1x16xf32> to vector<16xf32>
        %mul3A_387 = arith.mulf %gather3A_114, %get3A_386 : vector<16xf32>
        %add3A_388 = arith.addf %add3A_374, %mul3A_387 : vector<16xf32>
        %get3A_389 = arith.constant 28 : i32
        %get3A_390 = arith.index_cast %get3A_389 : i32 to index
        %get3A_391 = arith.index_cast %mul3A_327 : i32 to index
        %get3A_392 = tpu.vector_load %arg8[%get3A_390, %get3A_391] {strides = array<i32>} : memref<64x1024xf32, #tpu.memory_space<vmem>>, vector<1x16xf32>,
        %get3A_393 = vector.shape_cast %get3A_392 : vector<1x16xf32> to vector<16xf32>
        %mul3A_394 = arith.mulf %gather3A_146, %get3A_393 : vector<16xf32>
        %add3A_395 = arith.addf %add3A_381, %mul3A_394 : vector<16xf32>
        %get3A_396 = arith.constant 21 : i32
        %get3A_397 = arith.index_cast %get3A_396 : i32 to index
        %get3A_398 = arith.index_cast %mul3A_327 : i32 to index
        %get3A_399 = tpu.vector_load %arg8[%get3A_397, %get3A_398] {strides = array<i32>} : memref<64x1024xf32, #tpu.memory_space<vmem>>, vector<1x16xf32>,
        %get3A_400 = vector.shape_cast %get3A_399 : vector<1x16xf32> to vector<16xf32>
        %mul3A_401 = arith.mulf %gather3A_118, %get3A_400 : vector<16xf32>
        %add3A_402 = arith.addf %add3A_388, %mul3A_401 : vector<16xf32>
        %get3A_403 = arith.constant 29 : i32
        %get3A_404 = arith.index_cast %get3A_403 : i32 to index
        %get3A_405 = arith.index_cast %mul3A_327 : i32 to index
        %get3A_406 = tpu.vector_load %arg8[%get3A_404, %get3A_405] {strides = array<i32>} : memref<64x1024xf32, #tpu.memory_space<vmem>>, vector<1x16xf32>,
        %get3A_407 = vector.shape_cast %get3A_406 : vector<1x16xf32> to vector<16xf32>
        %mul3A_408 = arith.mulf %gather3A_150, %get3A_407 : vector<16xf32>
        %add3A_409 = arith.addf %add3A_395, %mul3A_408 : vector<16xf32>
        %get3A_410 = arith.constant 22 : i32
        %get3A_411 = arith.index_cast %get3A_410 : i32 to index
        %get3A_412 = arith.index_cast %mul3A_327 : i32 to index
        %get3A_413 = tpu.vector_load %arg8[%get3A_411, %get3A_412] {strides = array<i32>} : memref<64x1024xf32, #tpu.memory_space<vmem>>, vector<1x16xf32>,
        %get3A_414 = vector.shape_cast %get3A_413 : vector<1x16xf32> to vector<16xf32>
        %mul3A_415 = arith.mulf %gather3A_122, %get3A_414 : vector<16xf32>
        %add3A_416 = arith.addf %add3A_402, %mul3A_415 : vector<16xf32>
        %get3A_417 = arith.constant 30 : i32
        %get3A_418 = arith.index_cast %get3A_417 : i32 to index
        %get3A_419 = arith.index_cast %mul3A_327 : i32 to index
        %get3A_420 = tpu.vector_load %arg8[%get3A_418, %get3A_419] {strides = array<i32>} : memref<64x1024xf32, #tpu.memory_space<vmem>>, vector<1x16xf32>,
        %get3A_421 = vector.shape_cast %get3A_420 : vector<1x16xf32> to vector<16xf32>
        %mul3A_422 = arith.mulf %gather3A_154, %get3A_421 : vector<16xf32>
        %add3A_423 = arith.addf %add3A_409, %mul3A_422 : vector<16xf32>
        %get3A_424 = arith.constant 23 : i32
        %get3A_425 = arith.index_cast %get3A_424 : i32 to index
        %get3A_426 = arith.index_cast %mul3A_327 : i32 to index
        %get3A_427 = tpu.vector_load %arg8[%get3A_425, %get3A_426] {strides = array<i32>} : memref<64x1024xf32, #tpu.memory_space<vmem>>, vector<1x16xf32>,
        %get3A_428 = vector.shape_cast %get3A_427 : vector<1x16xf32> to vector<16xf32>
        %mul3A_429 = arith.mulf %gather3A_126, %get3A_428 : vector<16xf32>
        %add3A_430 = arith.addf %add3A_416, %mul3A_429 : vector<16xf32>
        %get3A_431 = arith.constant 31 : i32
        %get3A_432 = arith.index_cast %get3A_431 : i32 to index
        %get3A_433 = arith.index_cast %mul3A_327 : i32 to index
        %get3A_434 = tpu.vector_load %arg8[%get3A_432, %get3A_433] {strides = array<i32>} : memref<64x1024xf32, #tpu.memory_space<vmem>>, vector<1x16xf32>,
        %get3A_435 = vector.shape_cast %get3A_434 : vector<1x16xf32> to vector<16xf32>
        %mul3A_436 = arith.mulf %gather3A_158, %get3A_435 : vector<16xf32>
        %add3A_437 = arith.addf %add3A_423, %mul3A_436 : vector<16xf32>
        %swap3A = arith.constant 2 : i32
        %swap3A_438 = arith.index_cast %swap3A : i32 to index
        %swap3A_439 = arith.index_cast %mul3A_327 : i32 to index
        %swap3A_440 = tpu.vector_load %arg9[%swap3A_438, %swap3A_439] {strides = array<i32>} : memref<8x1024xf32, #tpu.memory_space<vmem>>, vector<1x16xf32>,
        %swap3A_441 = vector.shape_cast %swap3A_440 : vector<1x16xf32> to vector<16xf32>
        %swap3A_442 = vector.shape_cast %add3A_430 : vector<16xf32> to vector<1x16xf32>
        tpu.vector_store %arg9[%swap3A_438, %swap3A_439], %swap3A_442 {strides = array<i32>} : memref<8x1024xf32, #tpu.memory_space<vmem>>, vector<1x16xf32>,
        %swap3A_443 = arith.constant 3 : i32
        %swap3A_444 = arith.index_cast %swap3A_443 : i32 to index
        %swap3A_445 = arith.index_cast %mul3A_327 : i32 to index
        %swap3A_446 = tpu.vector_load %arg9[%swap3A_444, %swap3A_445] {strides = array<i32>} : memref<8x1024xf32, #tpu.memory_space<vmem>>, vector<1x16xf32>,
        %swap3A_447 = vector.shape_cast %swap3A_446 : vector<1x16xf32> to vector<16xf32>
        %swap3A_448 = vector.shape_cast %add3A_437 : vector<16xf32> to vector<1x16xf32>
        tpu.vector_store %arg9[%swap3A_444, %swap3A_445], %swap3A_448 {strides = array<i32>} : memref<8x1024xf32, #tpu.memory_space<vmem>>, vector<1x16xf32>,
        %scan3A_449 = arith.constant 0 : i32
        scf.yield %scan3A_449 : i32
      }
      %scan3A_165 = arith.constant 64 : i32
      %add3A_166 = arith.constant 32 : i32
      %add3A_167 = arith.addi %mul3A_10, %add3A_166 : i32
      %get3A_168 = arith.index_cast %add3A_167 : i32 to index
      %get3A_169 = tpu.vector_load %arg7[%get3A_168] {strides = array<i32>} : memref<512xf32, #tpu.memory_space<vmem>>, vector<16xf32>,
      %get3A_170 = vector.shape_cast %get3A_169 : vector<16xf32> to vector<16xf32>
      %broadcast_in_dim3A_171 = arith.constant 0 : i32
      %broadcast_in_dim3A_172 = vector.broadcast %broadcast_in_dim3A_171 : i32 to vector<16x1xi32>
      %gather3A_173 = vector.shape_cast %broadcast_in_dim3A_172 : vector<16x1xi32> to vector<16xi32>
      %gather3A_174 = tpu.dynamic_gather %get3A_170[%gather3A_173] in [0] : vector<16xf32>, vector<16xi32> -> vector<16xf32>
      %broadcast_in_dim3A_175 = arith.constant 1 : i32
      %broadcast_in_dim3A_176 = vector.broadcast %broadcast_in_dim3A_175 : i32 to vector<16x1xi32>
      %gather3A_177 = vector.shape_cast %broadcast_in_dim3A_176 : vector<16x1xi32> to vector<16xi32>
      %gather3A_178 = tpu.dynamic_gather %get3A_170[%gather3A_177] in [0] : vector<16xf32>, vector<16xi32> -> vector<16xf32>
      %broadcast_in_dim3A_179 = arith.constant 2 : i32
      %broadcast_in_dim3A_180 = vector.broadcast %broadcast_in_dim3A_179 : i32 to vector<16x1xi32>
      %gather3A_181 = vector.shape_cast %broadcast_in_dim3A_180 : vector<16x1xi32> to vector<16xi32>
      %gather3A_182 = tpu.dynamic_gather %get3A_170[%gather3A_181] in [0] : vector<16xf32>, vector<16xi32> -> vector<16xf32>
      %broadcast_in_dim3A_183 = arith.constant 3 : i32
      %broadcast_in_dim3A_184 = vector.broadcast %broadcast_in_dim3A_183 : i32 to vector<16x1xi32>
      %gather3A_185 = vector.shape_cast %broadcast_in_dim3A_184 : vector<16x1xi32> to vector<16xi32>
      %gather3A_186 = tpu.dynamic_gather %get3A_170[%gather3A_185] in [0] : vector<16xf32>, vector<16xi32> -> vector<16xf32>
      %broadcast_in_dim3A_187 = arith.constant 4 : i32
      %broadcast_in_dim3A_188 = vector.broadcast %broadcast_in_dim3A_187 : i32 to vector<16x1xi32>
      %gather3A_189 = vector.shape_cast %broadcast_in_dim3A_188 : vector<16x1xi32> to vector<16xi32>
      %gather3A_190 = tpu.dynamic_gather %get3A_170[%gather3A_189] in [0] : vector<16xf32>, vector<16xi32> -> vector<16xf32>
      %broadcast_in_dim3A_191 = arith.constant 5 : i32
      %broadcast_in_dim3A_192 = vector.broadcast %broadcast_in_dim3A_191 : i32 to vector<16x1xi32>
      %gather3A_193 = vector.shape_cast %broadcast_in_dim3A_192 : vector<16x1xi32> to vector<16xi32>
      %gather3A_194 = tpu.dynamic_gather %get3A_170[%gather3A_193] in [0] : vector<16xf32>, vector<16xi32> -> vector<16xf32>
      %broadcast_in_dim3A_195 = arith.constant 6 : i32
      %broadcast_in_dim3A_196 = vector.broadcast %broadcast_in_dim3A_195 : i32 to vector<16x1xi32>
      %gather3A_197 = vector.shape_cast %broadcast_in_dim3A_196 : vector<16x1xi32> to vector<16xi32>
      %gather3A_198 = tpu.dynamic_gather %get3A_170[%gather3A_197] in [0] : vector<16xf32>, vector<16xi32> -> vector<16xf32>
      %broadcast_in_dim3A_199 = arith.constant 7 : i32
      %broadcast_in_dim3A_200 = vector.broadcast %broadcast_in_dim3A_199 : i32 to vector<16x1xi32>
      %gather3A_201 = vector.shape_cast %broadcast_in_dim3A_200 : vector<16x1xi32> to vector<16xi32>
      %gather3A_202 = tpu.dynamic_gather %get3A_170[%gather3A_201] in [0] : vector<16xf32>, vector<16xi32> -> vector<16xf32>
      %broadcast_in_dim3A_203 = arith.constant 8 : i32
      %broadcast_in_dim3A_204 = vector.broadcast %broadcast_in_dim3A_203 : i32 to vector<16x1xi32>
      %gather3A_205 = vector.shape_cast %broadcast_in_dim3A_204 : vector<16x1xi32> to vector<16xi32>
      %gather3A_206 = tpu.dynamic_gather %get3A_170[%gather3A_205] in [0] : vector<16xf32>, vector<16xi32> -> vector<16xf32>
      %broadcast_in_dim3A_207 = arith.constant 9 : i32
      %broadcast_in_dim3A_208 = vector.broadcast %broadcast_in_dim3A_207 : i32 to vector<16x1xi32>
      %gather3A_209 = vector.shape_cast %broadcast_in_dim3A_208 : vector<16x1xi32> to vector<16xi32>
      %gather3A_210 = tpu.dynamic_gather %get3A_170[%gather3A_209] in [0] : vector<16xf32>, vector<16xi32> -> vector<16xf32>
      %broadcast_in_dim3A_211 = arith.constant 10 : i32
      %broadcast_in_dim3A_212 = vector.broadcast %broadcast_in_dim3A_211 : i32 to vector<16x1xi32>
      %gather3A_213 = vector.shape_cast %broadcast_in_dim3A_212 : vector<16x1xi32> to vector<16xi32>
      %gather3A_214 = tpu.dynamic_gather %get3A_170[%gather3A_213] in [0] : vector<16xf32>, vector<16xi32> -> vector<16xf32>
      %broadcast_in_dim3A_215 = arith.constant 11 : i32
      %broadcast_in_dim3A_216 = vector.broadcast %broadcast_in_dim3A_215 : i32 to vector<16x1xi32>
      %gather3A_217 = vector.shape_cast %broadcast_in_dim3A_216 : vector<16x1xi32> to vector<16xi32>
      %gather3A_218 = tpu.dynamic_gather %get3A_170[%gather3A_217] in [0] : vector<16xf32>, vector<16xi32> -> vector<16xf32>
      %broadcast_in_dim3A_219 = arith.constant 12 : i32
      %broadcast_in_dim3A_220 = vector.broadcast %broadcast_in_dim3A_219 : i32 to vector<16x1xi32>
      %gather3A_221 = vector.shape_cast %broadcast_in_dim3A_220 : vector<16x1xi32> to vector<16xi32>
      %gather3A_222 = tpu.dynamic_gather %get3A_170[%gather3A_221] in [0] : vector<16xf32>, vector<16xi32> -> vector<16xf32>
      %broadcast_in_dim3A_223 = arith.constant 13 : i32
      %broadcast_in_dim3A_224 = vector.broadcast %broadcast_in_dim3A_223 : i32 to vector<16x1xi32>
      %gather3A_225 = vector.shape_cast %broadcast_in_dim3A_224 : vector<16x1xi32> to vector<16xi32>
      %gather3A_226 = tpu.dynamic_gather %get3A_170[%gather3A_225] in [0] : vector<16xf32>, vector<16xi32> -> vector<16xf32>
      %broadcast_in_dim3A_227 = arith.constant 14 : i32
      %broadcast_in_dim3A_228 = vector.broadcast %broadcast_in_dim3A_227 : i32 to vector<16x1xi32>
      %gather3A_229 = vector.shape_cast %broadcast_in_dim3A_228 : vector<16x1xi32> to vector<16xi32>
      %gather3A_230 = tpu.dynamic_gather %get3A_170[%gather3A_229] in [0] : vector<16xf32>, vector<16xi32> -> vector<16xf32>
      %broadcast_in_dim3A_231 = arith.constant 15 : i32
      %broadcast_in_dim3A_232 = vector.broadcast %broadcast_in_dim3A_231 : i32 to vector<16x1xi32>
      %gather3A_233 = vector.shape_cast %broadcast_in_dim3A_232 : vector<16x1xi32> to vector<16xi32>
      %gather3A_234 = tpu.dynamic_gather %get3A_170[%gather3A_233] in [0] : vector<16xf32>, vector<16xi32> -> vector<16xf32>
      %scan3A_235 = arith.constant 0 : i32
      %scan3A_236 = arith.constant 0 : i32
      %scan3A_237 = arith.constant 64 : i32
      %scan3A_238 = arith.addi %scan3A_236, %scan3A_237 : i32
      %scan3A_239 = arith.constant 1 : i32
      %scan3A_240 = scf.for %scan3A_324 = %scan3A_236 to %scan3A_238 step %scan3A_239 iter_args(%scan3A_325 = %scan3A_235) -> (i32)  : i32 {
        %mul3A_326 = arith.constant 16 : i32
        %mul3A_327 = arith.muli %scan3A_324, %mul3A_326 : i32
        %get3A_328 = arith.constant 32 : i32
        %get3A_329 = arith.index_cast %get3A_328 : i32 to index
        %get3A_330 = arith.index_cast %mul3A_327 : i32 to index
        %get3A_331 = tpu.vector_load %arg8[%get3A_329, %get3A_330] {strides = array<i32>} : memref<64x1024xf32, #tpu.memory_space<vmem>>, vector<1x16xf32>,
        %get3A_332 = vector.shape_cast %get3A_331 : vector<1x16xf32> to vector<16xf32>
        %mul3A_333 = arith.mulf %gather3A_174, %get3A_332 : vector<16xf32>
        %get3A_334 = arith.constant 40 : i32
        %get3A_335 = arith.index_cast %get3A_334 : i32 to index
        %get3A_336 = arith.index_cast %mul3A_327 : i32 to index
        %get3A_337 = tpu.vector_load %arg8[%get3A_335, %get3A_336] {strides = array<i32>} : memref<64x1024xf32, #tpu.memory_space<vmem>>, vector<1x16xf32>,
        %get3A_338 = vector.shape_cast %get3A_337 : vector<1x16xf32> to vector<16xf32>
        %mul3A_339 = arith.mulf %gather3A_206, %get3A_338 : vector<16xf32>
        %get3A_340 = arith.constant 33 : i32
        %get3A_341 = arith.index_cast %get3A_340 : i32 to index
        %get3A_342 = arith.index_cast %mul3A_327 : i32 to index
        %get3A_343 = tpu.vector_load %arg8[%get3A_341, %get3A_342] {strides = array<i32>} : memref<64x1024xf32, #tpu.memory_space<vmem>>, vector<1x16xf32>,
        %get3A_344 = vector.shape_cast %get3A_343 : vector<1x16xf32> to vector<16xf32>
        %mul3A_345 = arith.mulf %gather3A_178, %get3A_344 : vector<16xf32>
        %add3A_346 = arith.addf %mul3A_333, %mul3A_345 : vector<16xf32>
        %get3A_347 = arith.constant 41 : i32
        %get3A_348 = arith.index_cast %get3A_347 : i32 to index
        %get3A_349 = arith.index_cast %mul3A_327 : i32 to index
        %get3A_350 = tpu.vector_load %arg8[%get3A_348, %get3A_349] {strides = array<i32>} : memref<64x1024xf32, #tpu.memory_space<vmem>>, vector<1x16xf32>,
        %get3A_351 = vector.shape_cast %get3A_350 : vector<1x16xf32> to vector<16xf32>
        %mul3A_352 = arith.mulf %gather3A_210, %get3A_351 : vector<16xf32>
        %add3A_353 = arith.addf %mul3A_339, %mul3A_352 : vector<16xf32>
        %get3A_354 = arith.constant 34 : i32
        %get3A_355 = arith.index_cast %get3A_354 : i32 to index
        %get3A_356 = arith.index_cast %mul3A_327 : i32 to index
        %get3A_357 = tpu.vector_load %arg8[%get3A_355, %get3A_356] {strides = array<i32>} : memref<64x1024xf32, #tpu.memory_space<vmem>>, vector<1x16xf32>,
        %get3A_358 = vector.shape_cast %get3A_357 : vector<1x16xf32> to vector<16xf32>
        %mul3A_359 = arith.mulf %gather3A_182, %get3A_358 : vector<16xf32>
        %add3A_360 = arith.addf %add3A_346, %mul3A_359 : vector<16xf32>
        %get3A_361 = arith.constant 42 : i32
        %get3A_362 = arith.index_cast %get3A_361 : i32 to index
        %get3A_363 = arith.index_cast %mul3A_327 : i32 to index
        %get3A_364 = tpu.vector_load %arg8[%get3A_362, %get3A_363] {strides = array<i32>} : memref<64x1024xf32, #tpu.memory_space<vmem>>, vector<1x16xf32>,
        %get3A_365 = vector.shape_cast %get3A_364 : vector<1x16xf32> to vector<16xf32>
        %mul3A_366 = arith.mulf %gather3A_214, %get3A_365 : vector<16xf32>
        %add3A_367 = arith.addf %add3A_353, %mul3A_366 : vector<16xf32>
        %get3A_368 = arith.constant 35 : i32
        %get3A_369 = arith.index_cast %get3A_368 : i32 to index
        %get3A_370 = arith.index_cast %mul3A_327 : i32 to index
        %get3A_371 = tpu.vector_load %arg8[%get3A_369, %get3A_370] {strides = array<i32>} : memref<64x1024xf32, #tpu.memory_space<vmem>>, vector<1x16xf32>,
        %get3A_372 = vector.shape_cast %get3A_371 : vector<1x16xf32> to vector<16xf32>
        %mul3A_373 = arith.mulf %gather3A_186, %get3A_372 : vector<16xf32>
        %add3A_374 = arith.addf %add3A_360, %mul3A_373 : vector<16xf32>
        %get3A_375 = arith.constant 43 : i32
        %get3A_376 = arith.index_cast %get3A_375 : i32 to index
        %get3A_377 = arith.index_cast %mul3A_327 : i32 to index
        %get3A_378 = tpu.vector_load %arg8[%get3A_376, %get3A_377] {strides = array<i32>} : memref<64x1024xf32, #tpu.memory_space<vmem>>, vector<1x16xf32>,
        %get3A_379 = vector.shape_cast %get3A_378 : vector<1x16xf32> to vector<16xf32>
        %mul3A_380 = arith.mulf %gather3A_218, %get3A_379 : vector<16xf32>
        %add3A_381 = arith.addf %add3A_367, %mul3A_380 : vector<16xf32>
        %get3A_382 = arith.constant 36 : i32
        %get3A_383 = arith.index_cast %get3A_382 : i32 to index
        %get3A_384 = arith.index_cast %mul3A_327 : i32 to index
        %get3A_385 = tpu.vector_load %arg8[%get3A_383, %get3A_384] {strides = array<i32>} : memref<64x1024xf32, #tpu.memory_space<vmem>>, vector<1x16xf32>,
        %get3A_386 = vector.shape_cast %get3A_385 : vector<1x16xf32> to vector<16xf32>
        %mul3A_387 = arith.mulf %gather3A_190, %get3A_386 : vector<16xf32>
        %add3A_388 = arith.addf %add3A_374, %mul3A_387 : vector<16xf32>
        %get3A_389 = arith.constant 44 : i32
        %get3A_390 = arith.index_cast %get3A_389 : i32 to index
        %get3A_391 = arith.index_cast %mul3A_327 : i32 to index
        %get3A_392 = tpu.vector_load %arg8[%get3A_390, %get3A_391] {strides = array<i32>} : memref<64x1024xf32, #tpu.memory_space<vmem>>, vector<1x16xf32>,
        %get3A_393 = vector.shape_cast %get3A_392 : vector<1x16xf32> to vector<16xf32>
        %mul3A_394 = arith.mulf %gather3A_222, %get3A_393 : vector<16xf32>
        %add3A_395 = arith.addf %add3A_381, %mul3A_394 : vector<16xf32>
        %get3A_396 = arith.constant 37 : i32
        %get3A_397 = arith.index_cast %get3A_396 : i32 to index
        %get3A_398 = arith.index_cast %mul3A_327 : i32 to index
        %get3A_399 = tpu.vector_load %arg8[%get3A_397, %get3A_398] {strides = array<i32>} : memref<64x1024xf32, #tpu.memory_space<vmem>>, vector<1x16xf32>,
        %get3A_400 = vector.shape_cast %get3A_399 : vector<1x16xf32> to vector<16xf32>
        %mul3A_401 = arith.mulf %gather3A_194, %get3A_400 : vector<16xf32>
        %add3A_402 = arith.addf %add3A_388, %mul3A_401 : vector<16xf32>
        %get3A_403 = arith.constant 45 : i32
        %get3A_404 = arith.index_cast %get3A_403 : i32 to index
        %get3A_405 = arith.index_cast %mul3A_327 : i32 to index
        %get3A_406 = tpu.vector_load %arg8[%get3A_404, %get3A_405] {strides = array<i32>} : memref<64x1024xf32, #tpu.memory_space<vmem>>, vector<1x16xf32>,
        %get3A_407 = vector.shape_cast %get3A_406 : vector<1x16xf32> to vector<16xf32>
        %mul3A_408 = arith.mulf %gather3A_226, %get3A_407 : vector<16xf32>
        %add3A_409 = arith.addf %add3A_395, %mul3A_408 : vector<16xf32>
        %get3A_410 = arith.constant 38 : i32
        %get3A_411 = arith.index_cast %get3A_410 : i32 to index
        %get3A_412 = arith.index_cast %mul3A_327 : i32 to index
        %get3A_413 = tpu.vector_load %arg8[%get3A_411, %get3A_412] {strides = array<i32>} : memref<64x1024xf32, #tpu.memory_space<vmem>>, vector<1x16xf32>,
        %get3A_414 = vector.shape_cast %get3A_413 : vector<1x16xf32> to vector<16xf32>
        %mul3A_415 = arith.mulf %gather3A_198, %get3A_414 : vector<16xf32>
        %add3A_416 = arith.addf %add3A_402, %mul3A_415 : vector<16xf32>
        %get3A_417 = arith.constant 46 : i32
        %get3A_418 = arith.index_cast %get3A_417 : i32 to index
        %get3A_419 = arith.index_cast %mul3A_327 : i32 to index
        %get3A_420 = tpu.vector_load %arg8[%get3A_418, %get3A_419] {strides = array<i32>} : memref<64x1024xf32, #tpu.memory_space<vmem>>, vector<1x16xf32>,
        %get3A_421 = vector.shape_cast %get3A_420 : vector<1x16xf32> to vector<16xf32>
        %mul3A_422 = arith.mulf %gather3A_230, %get3A_421 : vector<16xf32>
        %add3A_423 = arith.addf %add3A_409, %mul3A_422 : vector<16xf32>
        %get3A_424 = arith.constant 39 : i32
        %get3A_425 = arith.index_cast %get3A_424 : i32 to index
        %get3A_426 = arith.index_cast %mul3A_327 : i32 to index
        %get3A_427 = tpu.vector_load %arg8[%get3A_425, %get3A_426] {strides = array<i32>} : memref<64x1024xf32, #tpu.memory_space<vmem>>, vector<1x16xf32>,
        %get3A_428 = vector.shape_cast %get3A_427 : vector<1x16xf32> to vector<16xf32>
        %mul3A_429 = arith.mulf %gather3A_202, %get3A_428 : vector<16xf32>
        %add3A_430 = arith.addf %add3A_416, %mul3A_429 : vector<16xf32>
        %get3A_431 = arith.constant 47 : i32
        %get3A_432 = arith.index_cast %get3A_431 : i32 to index
        %get3A_433 = arith.index_cast %mul3A_327 : i32 to index
        %get3A_434 = tpu.vector_load %arg8[%get3A_432, %get3A_433] {strides = array<i32>} : memref<64x1024xf32, #tpu.memory_space<vmem>>, vector<1x16xf32>,
        %get3A_435 = vector.shape_cast %get3A_434 : vector<1x16xf32> to vector<16xf32>
        %mul3A_436 = arith.mulf %gather3A_234, %get3A_435 : vector<16xf32>
        %add3A_437 = arith.addf %add3A_423, %mul3A_436 : vector<16xf32>
        %swap3A = arith.constant 4 : i32
        %swap3A_438 = arith.index_cast %swap3A : i32 to index
        %swap3A_439 = arith.index_cast %mul3A_327 : i32 to index
        %swap3A_440 = tpu.vector_load %arg9[%swap3A_438, %swap3A_439] {strides = array<i32>} : memref<8x1024xf32, #tpu.memory_space<vmem>>, vector<1x16xf32>,
        %swap3A_441 = vector.shape_cast %swap3A_440 : vector<1x16xf32> to vector<16xf32>
        %swap3A_442 = vector.shape_cast %add3A_430 : vector<16xf32> to vector<1x16xf32>
        tpu.vector_store %arg9[%swap3A_438, %swap3A_439], %swap3A_442 {strides = array<i32>} : memref<8x1024xf32, #tpu.memory_space<vmem>>, vector<1x16xf32>,
        %swap3A_443 = arith.constant 5 : i32
        %swap3A_444 = arith.index_cast %swap3A_443 : i32 to index
        %swap3A_445 = arith.index_cast %mul3A_327 : i32 to index
        %swap3A_446 = tpu.vector_load %arg9[%swap3A_444, %swap3A_445] {strides = array<i32>} : memref<8x1024xf32, #tpu.memory_space<vmem>>, vector<1x16xf32>,
        %swap3A_447 = vector.shape_cast %swap3A_446 : vector<1x16xf32> to vector<16xf32>
        %swap3A_448 = vector.shape_cast %add3A_437 : vector<16xf32> to vector<1x16xf32>
        tpu.vector_store %arg9[%swap3A_444, %swap3A_445], %swap3A_448 {strides = array<i32>} : memref<8x1024xf32, #tpu.memory_space<vmem>>, vector<1x16xf32>,
        %scan3A_449 = arith.constant 0 : i32
        scf.yield %scan3A_449 : i32
      }
      %scan3A_241 = arith.constant 64 : i32
      %add3A_242 = arith.constant 48 : i32
      %add3A_243 = arith.addi %mul3A_10, %add3A_242 : i32
      %get3A_244 = arith.index_cast %add3A_243 : i32 to index
      %get3A_245 = tpu.vector_load %arg7[%get3A_244] {strides = array<i32>} : memref<512xf32, #tpu.memory_space<vmem>>, vector<16xf32>,
      %get3A_246 = vector.shape_cast %get3A_245 : vector<16xf32> to vector<16xf32>
      %broadcast_in_dim3A_247 = arith.constant 0 : i32
      %broadcast_in_dim3A_248 = vector.broadcast %broadcast_in_dim3A_247 : i32 to vector<16x1xi32>
      %gather3A_249 = vector.shape_cast %broadcast_in_dim3A_248 : vector<16x1xi32> to vector<16xi32>
      %gather3A_250 = tpu.dynamic_gather %get3A_246[%gather3A_249] in [0] : vector<16xf32>, vector<16xi32> -> vector<16xf32>
      %broadcast_in_dim3A_251 = arith.constant 1 : i32
      %broadcast_in_dim3A_252 = vector.broadcast %broadcast_in_dim3A_251 : i32 to vector<16x1xi32>
      %gather3A_253 = vector.shape_cast %broadcast_in_dim3A_252 : vector<16x1xi32> to vector<16xi32>
      %gather3A_254 = tpu.dynamic_gather %get3A_246[%gather3A_253] in [0] : vector<16xf32>, vector<16xi32> -> vector<16xf32>
      %broadcast_in_dim3A_255 = arith.constant 2 : i32
      %broadcast_in_dim3A_256 = vector.broadcast %broadcast_in_dim3A_255 : i32 to vector<16x1xi32>
      %gather3A_257 = vector.shape_cast %broadcast_in_dim3A_256 : vector<16x1xi32> to vector<16xi32>
      %gather3A_258 = tpu.dynamic_gather %get3A_246[%gather3A_257] in [0] : vector<16xf32>, vector<16xi32> -> vector<16xf32>
      %broadcast_in_dim3A_259 = arith.constant 3 : i32
      %broadcast_in_dim3A_260 = vector.broadcast %broadcast_in_dim3A_259 : i32 to vector<16x1xi32>
      %gather3A_261 = vector.shape_cast %broadcast_in_dim3A_260 : vector<16x1xi32> to vector<16xi32>
      %gather3A_262 = tpu.dynamic_gather %get3A_246[%gather3A_261] in [0] : vector<16xf32>, vector<16xi32> -> vector<16xf32>
      %broadcast_in_dim3A_263 = arith.constant 4 : i32
      %broadcast_in_dim3A_264 = vector.broadcast %broadcast_in_dim3A_263 : i32 to vector<16x1xi32>
      %gather3A_265 = vector.shape_cast %broadcast_in_dim3A_264 : vector<16x1xi32> to vector<16xi32>
      %gather3A_266 = tpu.dynamic_gather %get3A_246[%gather3A_265] in [0] : vector<16xf32>, vector<16xi32> -> vector<16xf32>
      %broadcast_in_dim3A_267 = arith.constant 5 : i32
      %broadcast_in_dim3A_268 = vector.broadcast %broadcast_in_dim3A_267 : i32 to vector<16x1xi32>
      %gather3A_269 = vector.shape_cast %broadcast_in_dim3A_268 : vector<16x1xi32> to vector<16xi32>
      %gather3A_270 = tpu.dynamic_gather %get3A_246[%gather3A_269] in [0] : vector<16xf32>, vector<16xi32> -> vector<16xf32>
      %broadcast_in_dim3A_271 = arith.constant 6 : i32
      %broadcast_in_dim3A_272 = vector.broadcast %broadcast_in_dim3A_271 : i32 to vector<16x1xi32>
      %gather3A_273 = vector.shape_cast %broadcast_in_dim3A_272 : vector<16x1xi32> to vector<16xi32>
      %gather3A_274 = tpu.dynamic_gather %get3A_246[%gather3A_273] in [0] : vector<16xf32>, vector<16xi32> -> vector<16xf32>
      %broadcast_in_dim3A_275 = arith.constant 7 : i32
      %broadcast_in_dim3A_276 = vector.broadcast %broadcast_in_dim3A_275 : i32 to vector<16x1xi32>
      %gather3A_277 = vector.shape_cast %broadcast_in_dim3A_276 : vector<16x1xi32> to vector<16xi32>
      %gather3A_278 = tpu.dynamic_gather %get3A_246[%gather3A_277] in [0] : vector<16xf32>, vector<16xi32> -> vector<16xf32>
      %broadcast_in_dim3A_279 = arith.constant 8 : i32
      %broadcast_in_dim3A_280 = vector.broadcast %broadcast_in_dim3A_279 : i32 to vector<16x1xi32>
      %gather3A_281 = vector.shape_cast %broadcast_in_dim3A_280 : vector<16x1xi32> to vector<16xi32>
      %gather3A_282 = tpu.dynamic_gather %get3A_246[%gather3A_281] in [0] : vector<16xf32>, vector<16xi32> -> vector<16xf32>
      %broadcast_in_dim3A_283 = arith.constant 9 : i32
      %broadcast_in_dim3A_284 = vector.broadcast %broadcast_in_dim3A_283 : i32 to vector<16x1xi32>
      %gather3A_285 = vector.shape_cast %broadcast_in_dim3A_284 : vector<16x1xi32> to vector<16xi32>
      %gather3A_286 = tpu.dynamic_gather %get3A_246[%gather3A_285] in [0] : vector<16xf32>, vector<16xi32> -> vector<16xf32>
      %broadcast_in_dim3A_287 = arith.constant 10 : i32
      %broadcast_in_dim3A_288 = vector.broadcast %broadcast_in_dim3A_287 : i32 to vector<16x1xi32>
      %gather3A_289 = vector.shape_cast %broadcast_in_dim3A_288 : vector<16x1xi32> to vector<16xi32>
      %gather3A_290 = tpu.dynamic_gather %get3A_246[%gather3A_289] in [0] : vector<16xf32>, vector<16xi32> -> vector<16xf32>
      %broadcast_in_dim3A_291 = arith.constant 11 : i32
      %broadcast_in_dim3A_292 = vector.broadcast %broadcast_in_dim3A_291 : i32 to vector<16x1xi32>
      %gather3A_293 = vector.shape_cast %broadcast_in_dim3A_292 : vector<16x1xi32> to vector<16xi32>
      %gather3A_294 = tpu.dynamic_gather %get3A_246[%gather3A_293] in [0] : vector<16xf32>, vector<16xi32> -> vector<16xf32>
      %broadcast_in_dim3A_295 = arith.constant 12 : i32
      %broadcast_in_dim3A_296 = vector.broadcast %broadcast_in_dim3A_295 : i32 to vector<16x1xi32>
      %gather3A_297 = vector.shape_cast %broadcast_in_dim3A_296 : vector<16x1xi32> to vector<16xi32>
      %gather3A_298 = tpu.dynamic_gather %get3A_246[%gather3A_297] in [0] : vector<16xf32>, vector<16xi32> -> vector<16xf32>
      %broadcast_in_dim3A_299 = arith.constant 13 : i32
      %broadcast_in_dim3A_300 = vector.broadcast %broadcast_in_dim3A_299 : i32 to vector<16x1xi32>
      %gather3A_301 = vector.shape_cast %broadcast_in_dim3A_300 : vector<16x1xi32> to vector<16xi32>
      %gather3A_302 = tpu.dynamic_gather %get3A_246[%gather3A_301] in [0] : vector<16xf32>, vector<16xi32> -> vector<16xf32>
      %broadcast_in_dim3A_303 = arith.constant 14 : i32
      %broadcast_in_dim3A_304 = vector.broadcast %broadcast_in_dim3A_303 : i32 to vector<16x1xi32>
      %gather3A_305 = vector.shape_cast %broadcast_in_dim3A_304 : vector<16x1xi32> to vector<16xi32>
      %gather3A_306 = tpu.dynamic_gather %get3A_246[%gather3A_305] in [0] : vector<16xf32>, vector<16xi32> -> vector<16xf32>
      %broadcast_in_dim3A_307 = arith.constant 15 : i32
      %broadcast_in_dim3A_308 = vector.broadcast %broadcast_in_dim3A_307 : i32 to vector<16x1xi32>
      %gather3A_309 = vector.shape_cast %broadcast_in_dim3A_308 : vector<16x1xi32> to vector<16xi32>
      %gather3A_310 = tpu.dynamic_gather %get3A_246[%gather3A_309] in [0] : vector<16xf32>, vector<16xi32> -> vector<16xf32>
      %scan3A_311 = arith.constant 0 : i32
      %scan3A_312 = arith.constant 0 : i32
      %scan3A_313 = arith.constant 64 : i32
      %scan3A_314 = arith.addi %scan3A_312, %scan3A_313 : i32
      %scan3A_315 = arith.constant 1 : i32
      %scan3A_316 = scf.for %scan3A_324 = %scan3A_312 to %scan3A_314 step %scan3A_315 iter_args(%scan3A_325 = %scan3A_311) -> (i32)  : i32 {
        %mul3A_326 = arith.constant 16 : i32
        %mul3A_327 = arith.muli %scan3A_324, %mul3A_326 : i32
        %get3A_328 = arith.constant 48 : i32
        %get3A_329 = arith.index_cast %get3A_328 : i32 to index
        %get3A_330 = arith.index_cast %mul3A_327 : i32 to index
        %get3A_331 = tpu.vector_load %arg8[%get3A_329, %get3A_330] {strides = array<i32>} : memref<64x1024xf32, #tpu.memory_space<vmem>>, vector<1x16xf32>,
        %get3A_332 = vector.shape_cast %get3A_331 : vector<1x16xf32> to vector<16xf32>
        %mul3A_333 = arith.mulf %gather3A_250, %get3A_332 : vector<16xf32>
        %get3A_334 = arith.constant 56 : i32
        %get3A_335 = arith.index_cast %get3A_334 : i32 to index
        %get3A_336 = arith.index_cast %mul3A_327 : i32 to index
        %get3A_337 = tpu.vector_load %arg8[%get3A_335, %get3A_336] {strides = array<i32>} : memref<64x1024xf32, #tpu.memory_space<vmem>>, vector<1x16xf32>,
        %get3A_338 = vector.shape_cast %get3A_337 : vector<1x16xf32> to vector<16xf32>
        %mul3A_339 = arith.mulf %gather3A_282, %get3A_338 : vector<16xf32>
        %get3A_340 = arith.constant 49 : i32
        %get3A_341 = arith.index_cast %get3A_340 : i32 to index
        %get3A_342 = arith.index_cast %mul3A_327 : i32 to index
        %get3A_343 = tpu.vector_load %arg8[%get3A_341, %get3A_342] {strides = array<i32>} : memref<64x1024xf32, #tpu.memory_space<vmem>>, vector<1x16xf32>,
        %get3A_344 = vector.shape_cast %get3A_343 : vector<1x16xf32> to vector<16xf32>
        %mul3A_345 = arith.mulf %gather3A_254, %get3A_344 : vector<16xf32>
        %add3A_346 = arith.addf %mul3A_333, %mul3A_345 : vector<16xf32>
        %get3A_347 = arith.constant 57 : i32
        %get3A_348 = arith.index_cast %get3A_347 : i32 to index
        %get3A_349 = arith.index_cast %mul3A_327 : i32 to index
        %get3A_350 = tpu.vector_load %arg8[%get3A_348, %get3A_349] {strides = array<i32>} : memref<64x1024xf32, #tpu.memory_space<vmem>>, vector<1x16xf32>,
        %get3A_351 = vector.shape_cast %get3A_350 : vector<1x16xf32> to vector<16xf32>
        %mul3A_352 = arith.mulf %gather3A_286, %get3A_351 : vector<16xf32>
        %add3A_353 = arith.addf %mul3A_339, %mul3A_352 : vector<16xf32>
        %get3A_354 = arith.constant 50 : i32
        %get3A_355 = arith.index_cast %get3A_354 : i32 to index
        %get3A_356 = arith.index_cast %mul3A_327 : i32 to index
        %get3A_357 = tpu.vector_load %arg8[%get3A_355, %get3A_356] {strides = array<i32>} : memref<64x1024xf32, #tpu.memory_space<vmem>>, vector<1x16xf32>,
        %get3A_358 = vector.shape_cast %get3A_357 : vector<1x16xf32> to vector<16xf32>
        %mul3A_359 = arith.mulf %gather3A_258, %get3A_358 : vector<16xf32>
        %add3A_360 = arith.addf %add3A_346, %mul3A_359 : vector<16xf32>
        %get3A_361 = arith.constant 58 : i32
        %get3A_362 = arith.index_cast %get3A_361 : i32 to index
        %get3A_363 = arith.index_cast %mul3A_327 : i32 to index
        %get3A_364 = tpu.vector_load %arg8[%get3A_362, %get3A_363] {strides = array<i32>} : memref<64x1024xf32, #tpu.memory_space<vmem>>, vector<1x16xf32>,
        %get3A_365 = vector.shape_cast %get3A_364 : vector<1x16xf32> to vector<16xf32>
        %mul3A_366 = arith.mulf %gather3A_290, %get3A_365 : vector<16xf32>
        %add3A_367 = arith.addf %add3A_353, %mul3A_366 : vector<16xf32>
        %get3A_368 = arith.constant 51 : i32
        %get3A_369 = arith.index_cast %get3A_368 : i32 to index
        %get3A_370 = arith.index_cast %mul3A_327 : i32 to index
        %get3A_371 = tpu.vector_load %arg8[%get3A_369, %get3A_370] {strides = array<i32>} : memref<64x1024xf32, #tpu.memory_space<vmem>>, vector<1x16xf32>,
        %get3A_372 = vector.shape_cast %get3A_371 : vector<1x16xf32> to vector<16xf32>
        %mul3A_373 = arith.mulf %gather3A_262, %get3A_372 : vector<16xf32>
        %add3A_374 = arith.addf %add3A_360, %mul3A_373 : vector<16xf32>
        %get3A_375 = arith.constant 59 : i32
        %get3A_376 = arith.index_cast %get3A_375 : i32 to index
        %get3A_377 = arith.index_cast %mul3A_327 : i32 to index
        %get3A_378 = tpu.vector_load %arg8[%get3A_376, %get3A_377] {strides = array<i32>} : memref<64x1024xf32, #tpu.memory_space<vmem>>, vector<1x16xf32>,
        %get3A_379 = vector.shape_cast %get3A_378 : vector<1x16xf32> to vector<16xf32>
        %mul3A_380 = arith.mulf %gather3A_294, %get3A_379 : vector<16xf32>
        %add3A_381 = arith.addf %add3A_367, %mul3A_380 : vector<16xf32>
        %get3A_382 = arith.constant 52 : i32
        %get3A_383 = arith.index_cast %get3A_382 : i32 to index
        %get3A_384 = arith.index_cast %mul3A_327 : i32 to index
        %get3A_385 = tpu.vector_load %arg8[%get3A_383, %get3A_384] {strides = array<i32>} : memref<64x1024xf32, #tpu.memory_space<vmem>>, vector<1x16xf32>,
        %get3A_386 = vector.shape_cast %get3A_385 : vector<1x16xf32> to vector<16xf32>
        %mul3A_387 = arith.mulf %gather3A_266, %get3A_386 : vector<16xf32>
        %add3A_388 = arith.addf %add3A_374, %mul3A_387 : vector<16xf32>
        %get3A_389 = arith.constant 60 : i32
        %get3A_390 = arith.index_cast %get3A_389 : i32 to index
        %get3A_391 = arith.index_cast %mul3A_327 : i32 to index
        %get3A_392 = tpu.vector_load %arg8[%get3A_390, %get3A_391] {strides = array<i32>} : memref<64x1024xf32, #tpu.memory_space<vmem>>, vector<1x16xf32>,
        %get3A_393 = vector.shape_cast %get3A_392 : vector<1x16xf32> to vector<16xf32>
        %mul3A_394 = arith.mulf %gather3A_298, %get3A_393 : vector<16xf32>
        %add3A_395 = arith.addf %add3A_381, %mul3A_394 : vector<16xf32>
        %get3A_396 = arith.constant 53 : i32
        %get3A_397 = arith.index_cast %get3A_396 : i32 to index
        %get3A_398 = arith.index_cast %mul3A_327 : i32 to index
        %get3A_399 = tpu.vector_load %arg8[%get3A_397, %get3A_398] {strides = array<i32>} : memref<64x1024xf32, #tpu.memory_space<vmem>>, vector<1x16xf32>,
        %get3A_400 = vector.shape_cast %get3A_399 : vector<1x16xf32> to vector<16xf32>
        %mul3A_401 = arith.mulf %gather3A_270, %get3A_400 : vector<16xf32>
        %add3A_402 = arith.addf %add3A_388, %mul3A_401 : vector<16xf32>
        %get3A_403 = arith.constant 61 : i32
        %get3A_404 = arith.index_cast %get3A_403 : i32 to index
        %get3A_405 = arith.index_cast %mul3A_327 : i32 to index
        %get3A_406 = tpu.vector_load %arg8[%get3A_404, %get3A_405] {strides = array<i32>} : memref<64x1024xf32, #tpu.memory_space<vmem>>, vector<1x16xf32>,
        %get3A_407 = vector.shape_cast %get3A_406 : vector<1x16xf32> to vector<16xf32>
        %mul3A_408 = arith.mulf %gather3A_302, %get3A_407 : vector<16xf32>
        %add3A_409 = arith.addf %add3A_395, %mul3A_408 : vector<16xf32>
        %get3A_410 = arith.constant 54 : i32
        %get3A_411 = arith.index_cast %get3A_410 : i32 to index
        %get3A_412 = arith.index_cast %mul3A_327 : i32 to index
        %get3A_413 = tpu.vector_load %arg8[%get3A_411, %get3A_412] {strides = array<i32>} : memref<64x1024xf32, #tpu.memory_space<vmem>>, vector<1x16xf32>,
        %get3A_414 = vector.shape_cast %get3A_413 : vector<1x16xf32> to vector<16xf32>
        %mul3A_415 = arith.mulf %gather3A_274, %get3A_414 : vector<16xf32>
        %add3A_416 = arith.addf %add3A_402, %mul3A_415 : vector<16xf32>
        %get3A_417 = arith.constant 62 : i32
        %get3A_418 = arith.index_cast %get3A_417 : i32 to index
        %get3A_419 = arith.index_cast %mul3A_327 : i32 to index
        %get3A_420 = tpu.vector_load %arg8[%get3A_418, %get3A_419] {strides = array<i32>} : memref<64x1024xf32, #tpu.memory_space<vmem>>, vector<1x16xf32>,
        %get3A_421 = vector.shape_cast %get3A_420 : vector<1x16xf32> to vector<16xf32>
        %mul3A_422 = arith.mulf %gather3A_306, %get3A_421 : vector<16xf32>
        %add3A_423 = arith.addf %add3A_409, %mul3A_422 : vector<16xf32>
        %get3A_424 = arith.constant 55 : i32
        %get3A_425 = arith.index_cast %get3A_424 : i32 to index
        %get3A_426 = arith.index_cast %mul3A_327 : i32 to index
        %get3A_427 = tpu.vector_load %arg8[%get3A_425, %get3A_426] {strides = array<i32>} : memref<64x1024xf32, #tpu.memory_space<vmem>>, vector<1x16xf32>,
        %get3A_428 = vector.shape_cast %get3A_427 : vector<1x16xf32> to vector<16xf32>
        %mul3A_429 = arith.mulf %gather3A_278, %get3A_428 : vector<16xf32>
        %add3A_430 = arith.addf %add3A_416, %mul3A_429 : vector<16xf32>
        %get3A_431 = arith.constant 63 : i32
        %get3A_432 = arith.index_cast %get3A_431 : i32 to index
        %get3A_433 = arith.index_cast %mul3A_327 : i32 to index
        %get3A_434 = tpu.vector_load %arg8[%get3A_432, %get3A_433] {strides = array<i32>} : memref<64x1024xf32, #tpu.memory_space<vmem>>, vector<1x16xf32>,
        %get3A_435 = vector.shape_cast %get3A_434 : vector<1x16xf32> to vector<16xf32>
        %mul3A_436 = arith.mulf %gather3A_310, %get3A_435 : vector<16xf32>
        %add3A_437 = arith.addf %add3A_423, %mul3A_436 : vector<16xf32>
        %swap3A = arith.constant 6 : i32
        %swap3A_438 = arith.index_cast %swap3A : i32 to index
        %swap3A_439 = arith.index_cast %mul3A_327 : i32 to index
        %swap3A_440 = tpu.vector_load %arg9[%swap3A_438, %swap3A_439] {strides = array<i32>} : memref<8x1024xf32, #tpu.memory_space<vmem>>, vector<1x16xf32>,
        %swap3A_441 = vector.shape_cast %swap3A_440 : vector<1x16xf32> to vector<16xf32>
        %swap3A_442 = vector.shape_cast %add3A_430 : vector<16xf32> to vector<1x16xf32>
        tpu.vector_store %arg9[%swap3A_438, %swap3A_439], %swap3A_442 {strides = array<i32>} : memref<8x1024xf32, #tpu.memory_space<vmem>>, vector<1x16xf32>,
        %swap3A_443 = arith.constant 7 : i32
        %swap3A_444 = arith.index_cast %swap3A_443 : i32 to index
        %swap3A_445 = arith.index_cast %mul3A_327 : i32 to index
        %swap3A_446 = tpu.vector_load %arg9[%swap3A_444, %swap3A_445] {strides = array<i32>} : memref<8x1024xf32, #tpu.memory_space<vmem>>, vector<1x16xf32>,
        %swap3A_447 = vector.shape_cast %swap3A_446 : vector<1x16xf32> to vector<16xf32>
        %swap3A_448 = vector.shape_cast %add3A_437 : vector<16xf32> to vector<1x16xf32>
        tpu.vector_store %arg9[%swap3A_444, %swap3A_445], %swap3A_448 {strides = array<i32>} : memref<8x1024xf32, #tpu.memory_space<vmem>>, vector<1x16xf32>,
        %scan3A_449 = arith.constant 0 : i32
        scf.yield %scan3A_449 : i32
      }
      %scan3A_317 = arith.constant 64 : i32
      %mul3A_318 = arith.constant 64 : i32
      %mul3A_319 = arith.muli %add3A, %mul3A_318 : i32
      %mul3A_320 = arith.constant 8 : i32
      %mul3A_321 = arith.muli %scan3A_7, %mul3A_320 : i32
      %add3A_322 = arith.addi %mul3A_319, %mul3A_321 : i32
      "tpu.region"() ({
        %run_scoped3A = tpu.sem_alloc : memref<!tpu.dma_semaphore, #tpu.memory_space<semaphore_mem>>
        %dma_start3A_324 = arith.constant 0 : i32
        %dma_start3A_325 = tpu.memref_slice %arg5[%add3A_322, %dma_start3A_324] : memref<2048x1024xf32, #tpu.memory_space<hbm>> -> memref<8x1024xf32, #tpu.memory_space<hbm>>
        %dma_start3A_326 = arith.constant 0 : i32
        %dma_start3A_327 = tpu.memref_slice %arg5[%add3A_322, %dma_start3A_326] : memref<2048x1024xf32, #tpu.memory_space<hbm>> -> memref<8x1024xf32, #tpu.memory_space<hbm>>
        tpu.enqueue_dma source(%arg9 : memref<8x1024xf32, #tpu.memory_space<vmem>>) target(%dma_start3A_327 : memref<8x1024xf32, #tpu.memory_space<hbm>>) target_semaphore(%run_scoped3A : memref<!tpu.dma_semaphore, #tpu.memory_space<semaphore_mem>>)
        %dma_wait3A_328 = arith.constant 0 : i32
        %dma_wait3A_329 = tpu.memref_slice %arg5[%add3A_322, %dma_wait3A_328] : memref<2048x1024xf32, #tpu.memory_space<hbm>> -> memref<8x1024xf32, #tpu.memory_space<hbm>>
        %dma_wait3A_330 = arith.constant 0 : i32
        %dma_wait3A_331 = tpu.memref_slice %arg5[%add3A_322, %dma_wait3A_330] : memref<2048x1024xf32, #tpu.memory_space<hbm>> -> memref<8x1024xf32, #tpu.memory_space<hbm>>
        tpu.wait_dma2 semaphore(%run_scoped3A : memref<!tpu.dma_semaphore, #tpu.memory_space<semaphore_mem>>) src(%arg9 : memref<8x1024xf32, #tpu.memory_space<vmem>>) dst(%dma_wait3A_331 : memref<8x1024xf32, #tpu.memory_space<hbm>>)
        tpu.yield
      }) : () -> ()
      %scan3A_323 = arith.constant 0 : i32
      scf.yield %scan3A_323 : i32
    }
    %scan3A_6 = arith.constant 8 : i32
    return
  }
}

module attributes {stable_mosaic.version = 14 : i64} {
  func.func @_topk_kernel(%arg0: i32, %arg1: i32, %arg2: memref<256x64xbf16, #tpu.memory_space<vmem>>, %arg3: memref<64x2048xbf16, #tpu.memory_space<vmem>>, %arg4: memref<64x2048xbf16, #tpu.memory_space<vmem>>, %arg5: memref<256x8xi32, #tpu.memory_space<vmem>>, %arg6: memref<256x8xf32, #tpu.memory_space<vmem>>, %arg7: memref<256x2048xf32, #tpu.memory_space<vmem>>, %arg8: memref<256x8xf32, #tpu.memory_space<vmem>>, %arg9: memref<256x8xi32, #tpu.memory_space<vmem>>) attributes {dimension_semantics = [#tpu.dimension_semantics<arbitrary>, #tpu.dimension_semantics<arbitrary>], iteration_bounds = array<i64: 8, 49>, scalar_prefetch = 0 : i64, scratch_operands = 3 : i64, tpu.core_type = #tpu.core_type<tc>, window_params = [{transform_indices = @transform_0, window_bounds = array<i64: 256, 64>}, {transform_indices = @transform_1, window_bounds = array<i64: 64, 2048>}, {transform_indices = @transform_2, window_bounds = array<i64: 64, 2048>}, {transform_indices = @transform_3, window_bounds = array<i64: 256, 8>}, {transform_indices = @transform_4, window_bounds = array<i64: 256, 8>}]} {
    %eq3A = arith.constant 0 : i32
    %eq3A_0 = arith.cmpi eq, %arg1, %eq3A : i32
    %convert_element_type3A = arith.extui %eq3A_0 : i1 to i32
    %cond3A = arith.constant 0 : i32
    %cond3A_1 = arith.cmpi ne, %convert_element_type3A, %cond3A : i32
    scf.if %cond3A_1 {
      %broadcast_in_dim3A_29 = arith.constant -1.000000e+30 : f32
      %broadcast_in_dim3A_30 = vector.broadcast %broadcast_in_dim3A_29 : f32 to vector<256x8xf32>
      %swap3A_31 = arith.constant 0 : index
      %swap3A_32 = arith.constant 0 : index
      %swap3A_33 = vector.load %arg8[%swap3A_31, %swap3A_32] : memref<256x8xf32, #tpu.memory_space<vmem>>, vector<256x8xf32>
      tpu.vector_store %arg8[%swap3A_31, %swap3A_32], %broadcast_in_dim3A_30 {strides = array<i32>} : memref<256x8xf32, #tpu.memory_space<vmem>>, vector<256x8xf32>,
      %broadcast_in_dim3A_34 = arith.constant 0 : i32
      %broadcast_in_dim3A_35 = vector.broadcast %broadcast_in_dim3A_34 : i32 to vector<256x8xi32>
      %swap3A_36 = arith.constant 0 : index
      %swap3A_37 = arith.constant 0 : index
      %swap3A_38 = vector.load %arg9[%swap3A_36, %swap3A_37] : memref<256x8xi32, #tpu.memory_space<vmem>>, vector<256x8xi32>
      tpu.vector_store %arg9[%swap3A_36, %swap3A_37], %broadcast_in_dim3A_35 {strides = array<i32>} : memref<256x8xi32, #tpu.memory_space<vmem>>, vector<256x8xi32>,
    } else {
    }
    %get3A = arith.constant 0 : index
    %get3A_2 = arith.constant 0 : index
    %get3A_3 = vector.load %arg2[%get3A, %get3A_2] : memref<256x64xbf16, #tpu.memory_space<vmem>>, vector<256x64xbf16>
    %get3A_4 = arith.constant 0 : index
    %get3A_5 = arith.constant 0 : index
    %get3A_6 = vector.load %arg3[%get3A_4, %get3A_5] : memref<64x2048xbf16, #tpu.memory_space<vmem>>, vector<64x2048xbf16>
    %dot_general3A = arith.constant dense<0.000000e+00> : vector<256x2048xf32>
    %dot_general3A_7 = tpu.matmul %get3A_3, %get3A_6, %dot_general3A {dimension_numbers = #tpu.dot_dimension_numbers<[1], [0], [0], [1], [0, 0, 1, 1], [], []>, transpose_lhs_hint = false} : vector<256x64xbf16>, vector<64x2048xbf16>, vector<256x2048xf32> -> vector<256x2048xf32>
    %get3A_8 = arith.constant 0 : index
    %get3A_9 = arith.constant 0 : index
    %get3A_10 = vector.load %arg4[%get3A_8, %get3A_9] : memref<64x2048xbf16, #tpu.memory_space<vmem>>, vector<64x2048xbf16>
    %dot_general3A_11 = arith.constant dense<0.000000e+00> : vector<256x2048xf32>
    %dot_general3A_12 = tpu.matmul %get3A_3, %get3A_10, %dot_general3A_11 {dimension_numbers = #tpu.dot_dimension_numbers<[1], [0], [0], [1], [0, 0, 1, 1], [], []>, transpose_lhs_hint = false} : vector<256x64xbf16>, vector<64x2048xbf16>, vector<256x2048xf32> -> vector<256x2048xf32>
    %add3A = arith.addf %dot_general3A_7, %dot_general3A_12 : vector<256x2048xf32>
    %iota3A = tpu.iota {dimensions = array<i32: 1>} : vector<256x2048xi32>
    %mul3A = arith.constant 2048 : i32
    %mul3A_13 = arith.muli %arg1, %mul3A : i32
    %sub3A = arith.constant 100000 : i32
    %sub3A_14 = arith.subi %sub3A, %mul3A_13 : i32
    %lt3A = vector.broadcast %sub3A_14 : i32 to vector<256x2048xi32>
    %lt3A_15 = arith.cmpi slt, %iota3A, %lt3A : vector<256x2048xi32>
    %jit3A = arith.constant -1.000000e+30 : f32
    %broadcast_in_dim3A = vector.broadcast %jit3A : f32 to vector<256x2048xf32>
    %select_n3A = arith.select %lt3A_15, %add3A, %broadcast_in_dim3A : vector<256x2048xi1>, vector<256x2048xf32>
    %swap3A = arith.constant 0 : index
    %swap3A_16 = arith.constant 0 : index
    %swap3A_17 = vector.load %arg7[%swap3A, %swap3A_16] : memref<256x2048xf32, #tpu.memory_space<vmem>>, vector<256x2048xf32>
    tpu.vector_store %arg7[%swap3A, %swap3A_16], %select_n3A {strides = array<i32>} : memref<256x2048xf32, #tpu.memory_space<vmem>>, vector<256x2048xf32>,
    %reduce_max3A = arith.constant dense<0xFF800000> : vector<256xf32>
    %reduce_max3A_18 = vector.multi_reduction <maximumf>, %select_n3A, %reduce_max3A [1] : vector<256x2048xf32> to vector<256xf32>
    %broadcast_in_dim3A_19 = vector.shape_cast %reduce_max3A_18 : vector<256xf32> to vector<256x1xf32>
    %get3A_20 = arith.constant 0 : index
    %get3A_21 = arith.constant 0 : index
    %get3A_22 = vector.load %arg8[%get3A_20, %get3A_21] : memref<256x8xf32, #tpu.memory_space<vmem>>, vector<256x8xf32>
    %slice3A = vector.extract_strided_slice %get3A_22 {offsets = [0, 7], sizes = [256, 1], strides = [1, 1]} : vector<256x8xf32> to vector<256x1xf32>
    %iota3A_23 = tpu.iota {dimensions = array<i32: 1>} : vector<256x8xi32>
    %while3A:2 = scf.while (%while3A_29 = %broadcast_in_dim3A_19, %while3A_30 = %slice3A) : (vector<256x1xf32>, vector<256x1xf32>) -> (vector<256x1xf32>, vector<256x1xf32>) {
      %gt3A = arith.cmpf ogt, %while3A_29, %while3A_30 : vector<256x1xf32>
      %reduce_or3A = arith.constant 1.000000e+00 : f32
      %reduce_or3A_31 = arith.constant 0.000000e+00 : f32
      %reduce_or3A_32 = vector.broadcast %reduce_or3A : f32 to vector<256x1xf32>
      %reduce_or3A_33 = vector.broadcast %reduce_or3A_31 : f32 to vector<256x1xf32>
      %reduce_or3A_34 = arith.select %gt3A, %reduce_or3A_32, %reduce_or3A_33 : vector<256x1xi1>, vector<256x1xf32>
      %reduce_or3A_35 = vector.shape_cast %reduce_or3A_34 : vector<256x1xf32> to vector<1x256x1xf32>
      %reduce_or3A_36 = arith.constant dense<0xFF800000> : vector<1xf32>
      %reduce_or3A_37 = vector.multi_reduction <maximumf>, %reduce_or3A_35, %reduce_or3A_36 [1, 2] : vector<1x256x1xf32> to vector<1xf32>
      %reduce_or3A_38 = vector.shape_cast %reduce_or3A_37 : vector<1xf32> to vector<1x1x1xf32>
      %reduce_or3A_39 = vector.extract %reduce_or3A_38[0, 0, 0] : f32 from vector<1x1x1xf32>
      %reduce_or3A_40 = arith.constant 0.000000e+00 : f32
      %reduce_or3A_41 = arith.cmpf ogt, %reduce_or3A_39, %reduce_or3A_40 : f32
      scf.condition(%reduce_or3A_41) %while3A_29, %while3A_30 : vector<256x1xf32>, vector<256x1xf32>
    } do {
    ^bb0(%while3A_29: vector<256x1xf32>, %while3A_30: vector<256x1xf32>):
      %get3A_31 = arith.constant 0 : index
      %get3A_32 = arith.constant 0 : index
      %get3A_33 = vector.load %arg7[%get3A_31, %get3A_32] : memref<256x2048xf32, #tpu.memory_space<vmem>>, vector<256x2048xf32>
      %eq3A_34 = vector.broadcast %while3A_29 : vector<256x1xf32> to vector<256x2048xf32>
      %eq3A_35 = arith.cmpf oeq, %get3A_33, %eq3A_34 : vector<256x2048xf32>
      %jit3A_36 = arith.constant 1073741824 : i32
      %broadcast_in_dim3A_37 = vector.broadcast %jit3A_36 : i32 to vector<256x2048xi32>
      %select_n3A_38 = arith.select %eq3A_35, %iota3A, %broadcast_in_dim3A_37 : vector<256x2048xi1>, vector<256x2048xi32>
      %reduce_min3A = arith.constant dense<2147483647> : vector<256xi32>
      %reduce_min3A_39 = vector.multi_reduction <minsi>, %select_n3A_38, %reduce_min3A [1] : vector<256x2048xi32> to vector<256xi32>
      %broadcast_in_dim3A_40 = vector.shape_cast %reduce_min3A_39 : vector<256xi32> to vector<256x1xi32>
      %eq3A_41 = vector.broadcast %broadcast_in_dim3A_40 : vector<256x1xi32> to vector<256x2048xi32>
      %eq3A_42 = arith.cmpi eq, %iota3A, %eq3A_41 : vector<256x2048xi32>
      %jit3A_43 = arith.constant -1.000000e+30 : f32
      %broadcast_in_dim3A_44 = vector.broadcast %jit3A_43 : f32 to vector<256x2048xf32>
      %select_n3A_45 = arith.select %eq3A_42, %broadcast_in_dim3A_44, %get3A_33 : vector<256x2048xi1>, vector<256x2048xf32>
      %swap3A_46 = arith.constant 0 : index
      %swap3A_47 = arith.constant 0 : index
      %swap3A_48 = vector.load %arg7[%swap3A_46, %swap3A_47] : memref<256x2048xf32, #tpu.memory_space<vmem>>, vector<256x2048xf32>
      tpu.vector_store %arg7[%swap3A_46, %swap3A_47], %select_n3A_45 {strides = array<i32>} : memref<256x2048xf32, #tpu.memory_space<vmem>>, vector<256x2048xf32>,
      %reduce_max3A_49 = arith.constant dense<0xFF800000> : vector<256xf32>
      %reduce_max3A_50 = vector.multi_reduction <maximumf>, %select_n3A_45, %reduce_max3A_49 [1] : vector<256x2048xf32> to vector<256xf32>
      %broadcast_in_dim3A_51 = vector.shape_cast %reduce_max3A_50 : vector<256xf32> to vector<256x1xf32>
      %get3A_52 = arith.constant 0 : index
      %get3A_53 = arith.constant 0 : index
      %get3A_54 = vector.load %arg8[%get3A_52, %get3A_53] : memref<256x8xf32, #tpu.memory_space<vmem>>, vector<256x8xf32>
      %get3A_55 = arith.constant 0 : index
      %get3A_56 = arith.constant 0 : index
      %get3A_57 = vector.load %arg9[%get3A_55, %get3A_56] : memref<256x8xi32, #tpu.memory_space<vmem>>, vector<256x8xi32>
      %ge3A = vector.broadcast %while3A_29 : vector<256x1xf32> to vector<256x8xf32>
      %ge3A_58 = arith.cmpf oge, %get3A_54, %ge3A : vector<256x8xf32>
      %convert_element_type3A_59 = arith.extui %ge3A_58 : vector<256x8xi1> to vector<256x8xi32>
      %reduce_sum3A = arith.constant dense<0> : vector<256xi32>
      %reduce_sum3A_60 = vector.multi_reduction <add>, %convert_element_type3A_59, %reduce_sum3A [1] : vector<256x8xi32> to vector<256xi32>
      %broadcast_in_dim3A_61 = vector.shape_cast %reduce_sum3A_60 : vector<256xi32> to vector<256x1xi32>
      %slice3A_62 = vector.extract_strided_slice %get3A_54 {offsets = [0, 0], sizes = [256, 1], strides = [1, 1]} : vector<256x8xf32> to vector<256x1xf32>
      %slice3A_63 = vector.extract_strided_slice %get3A_54 {offsets = [0, 0], sizes = [256, 7], strides = [1, 1]} : vector<256x8xf32> to vector<256x7xf32>
      %concatenate3A = tpu.concatenate %slice3A_62, %slice3A_63 in 1 : vector<256x1xf32>, vector<256x7xf32> -> vector<256x8xf32>
      %slice3A_64 = vector.extract_strided_slice %get3A_57 {offsets = [0, 0], sizes = [256, 1], strides = [1, 1]} : vector<256x8xi32> to vector<256x1xi32>
      %slice3A_65 = vector.extract_strided_slice %get3A_57 {offsets = [0, 0], sizes = [256, 7], strides = [1, 1]} : vector<256x8xi32> to vector<256x7xi32>
      %concatenate3A_66 = tpu.concatenate %slice3A_64, %slice3A_65 in 1 : vector<256x1xi32>, vector<256x7xi32> -> vector<256x8xi32>
      %lt3A_67 = vector.broadcast %broadcast_in_dim3A_61 : vector<256x1xi32> to vector<256x8xi32>
      %lt3A_68 = arith.cmpi slt, %iota3A_23, %lt3A_67 : vector<256x8xi32>
      %eq3A_69 = vector.broadcast %broadcast_in_dim3A_61 : vector<256x1xi32> to vector<256x8xi32>
      %eq3A_70 = arith.cmpi eq, %iota3A_23, %eq3A_69 : vector<256x8xi32>
      %broadcast_in_dim3A_71 = vector.shape_cast %while3A_29 : vector<256x1xf32> to vector<256x1xf32>
      %broadcast_in_dim3A_72 = vector.broadcast %broadcast_in_dim3A_71 : vector<256x1xf32> to vector<256x8xf32>
      %select_n3A_73 = arith.select %eq3A_70, %broadcast_in_dim3A_72, %concatenate3A : vector<256x8xi1>, vector<256x8xf32>
      %select_n3A_74 = arith.select %lt3A_68, %get3A_54, %select_n3A_73 : vector<256x8xi1>, vector<256x8xf32>
      %lt3A_75 = vector.broadcast %broadcast_in_dim3A_61 : vector<256x1xi32> to vector<256x8xi32>
      %lt3A_76 = arith.cmpi slt, %iota3A_23, %lt3A_75 : vector<256x8xi32>
      %eq3A_77 = vector.broadcast %broadcast_in_dim3A_61 : vector<256x1xi32> to vector<256x8xi32>
      %eq3A_78 = arith.cmpi eq, %iota3A_23, %eq3A_77 : vector<256x8xi32>
      %add3A_79 = vector.broadcast %mul3A_13 : i32 to vector<256x1xi32>
      %add3A_80 = arith.addi %add3A_79, %broadcast_in_dim3A_40 : vector<256x1xi32>
      %broadcast_in_dim3A_81 = vector.shape_cast %add3A_80 : vector<256x1xi32> to vector<256x1xi32>
      %broadcast_in_dim3A_82 = vector.broadcast %broadcast_in_dim3A_81 : vector<256x1xi32> to vector<256x8xi32>
      %select_n3A_83 = arith.select %eq3A_78, %broadcast_in_dim3A_82, %concatenate3A_66 : vector<256x8xi1>, vector<256x8xi32>
      %select_n3A_84 = arith.select %lt3A_76, %get3A_57, %select_n3A_83 : vector<256x8xi1>, vector<256x8xi32>
      %swap3A_85 = arith.constant 0 : index
      %swap3A_86 = arith.constant 0 : index
      %swap3A_87 = vector.load %arg8[%swap3A_85, %swap3A_86] : memref<256x8xf32, #tpu.memory_space<vmem>>, vector<256x8xf32>
      tpu.vector_store %arg8[%swap3A_85, %swap3A_86], %select_n3A_74 {strides = array<i32>} : memref<256x8xf32, #tpu.memory_space<vmem>>, vector<256x8xf32>,
      %swap3A_88 = arith.constant 0 : index
      %swap3A_89 = arith.constant 0 : index
      %swap3A_90 = vector.load %arg9[%swap3A_88, %swap3A_89] : memref<256x8xi32, #tpu.memory_space<vmem>>, vector<256x8xi32>
      tpu.vector_store %arg9[%swap3A_88, %swap3A_89], %select_n3A_84 {strides = array<i32>} : memref<256x8xi32, #tpu.memory_space<vmem>>, vector<256x8xi32>,
      %slice3A_91 = vector.extract_strided_slice %select_n3A_74 {offsets = [0, 7], sizes = [256, 1], strides = [1, 1]} : vector<256x8xf32> to vector<256x1xf32>
      scf.yield %broadcast_in_dim3A_51, %slice3A_91 : vector<256x1xf32>, vector<256x1xf32>
    }
    %eq3A_24 = arith.constant 48 : i32
    %eq3A_25 = arith.cmpi eq, %arg1, %eq3A_24 : i32
    %convert_element_type3A_26 = arith.extui %eq3A_25 : i1 to i32
    %cond3A_27 = arith.constant 0 : i32
    %cond3A_28 = arith.cmpi ne, %convert_element_type3A_26, %cond3A_27 : i32
    scf.if %cond3A_28 {
      %get3A_29 = arith.constant 0 : index
      %get3A_30 = arith.constant 0 : index
      %get3A_31 = vector.load %arg8[%get3A_29, %get3A_30] : memref<256x8xf32, #tpu.memory_space<vmem>>, vector<256x8xf32>
      %mul3A_32 = arith.constant 1.250000e-01 : f32
      %mul3A_33 = vector.broadcast %mul3A_32 : f32 to vector<256x8xf32>
      %mul3A_34 = arith.mulf %get3A_31, %mul3A_33 : vector<256x8xf32>
      %slice3A_35 = vector.extract_strided_slice %mul3A_34 {offsets = [0, 0], sizes = [256, 1], strides = [1, 1]} : vector<256x8xf32> to vector<256x1xf32>
      %sub3A_36 = vector.broadcast %slice3A_35 : vector<256x1xf32> to vector<256x8xf32>
      %sub3A_37 = arith.subf %mul3A_34, %sub3A_36 : vector<256x8xf32>
      %exp3A = math.exp %sub3A_37 : vector<256x8xf32>
      %reduce_sum3A = arith.constant dense<0.000000e+00> : vector<256xf32>
      %reduce_sum3A_38 = vector.multi_reduction <add>, %exp3A, %reduce_sum3A [1] : vector<256x8xf32> to vector<256xf32>
      %broadcast_in_dim3A_39 = vector.shape_cast %reduce_sum3A_38 : vector<256xf32> to vector<256x1xf32>
      %div3A = vector.broadcast %broadcast_in_dim3A_39 : vector<256x1xf32> to vector<256x8xf32>
      %div3A_40 = arith.divf %exp3A, %div3A : vector<256x8xf32>
      %get3A_41 = arith.constant 0 : index
      %get3A_42 = arith.constant 0 : index
      %get3A_43 = vector.load %arg9[%get3A_41, %get3A_42] : memref<256x8xi32, #tpu.memory_space<vmem>>, vector<256x8xi32>
      %swap3A_44 = arith.constant 0 : index
      %swap3A_45 = arith.constant 0 : index
      %swap3A_46 = vector.load %arg5[%swap3A_44, %swap3A_45] : memref<256x8xi32, #tpu.memory_space<vmem>>, vector<256x8xi32>
      tpu.vector_store %arg5[%swap3A_44, %swap3A_45], %get3A_43 {strides = array<i32>} : memref<256x8xi32, #tpu.memory_space<vmem>>, vector<256x8xi32>,
      %swap3A_47 = arith.constant 0 : index
      %swap3A_48 = arith.constant 0 : index
      %swap3A_49 = vector.load %arg6[%swap3A_47, %swap3A_48] : memref<256x8xf32, #tpu.memory_space<vmem>>, vector<256x8xf32>
      tpu.vector_store %arg6[%swap3A_47, %swap3A_48], %div3A_40 {strides = array<i32>} : memref<256x8xf32, #tpu.memory_space<vmem>>, vector<256x8xf32>,
    } else {
    }
    return
  }
  func.func @transform_0(%arg0: i32, %arg1: i32) -> (i32, i32) {
    %c0_i32 = arith.constant 0 : i32
    %c0_i32_0 = arith.constant 0 : i32
    return %arg0, %c0_i32 : i32, i32
  }
  func.func @transform_1(%arg0: i32, %arg1: i32) -> (i32, i32) {
    %c0_i32 = arith.constant 0 : i32
    %c0_i32_0 = arith.constant 0 : i32
    return %c0_i32, %arg1 : i32, i32
  }
  func.func @transform_2(%arg0: i32, %arg1: i32) -> (i32, i32) {
    %c0_i32 = arith.constant 0 : i32
    %c0_i32_0 = arith.constant 0 : i32
    return %c0_i32, %arg1 : i32, i32
  }
  func.func @transform_3(%arg0: i32, %arg1: i32) -> (i32, i32) {
    %c0_i32 = arith.constant 0 : i32
    %c0_i32_0 = arith.constant 0 : i32
    return %arg0, %c0_i32 : i32, i32
  }
  func.func @transform_4(%arg0: i32, %arg1: i32) -> (i32, i32) {
    %c0_i32 = arith.constant 0 : i32
    %c0_i32_0 = arith.constant 0 : i32
    return %arg0, %c0_i32 : i32, i32
  }
}

</mosaic_0001>

<sc_bundles>
// kernel: kernel.4.cloned.1.call-start
scs
__scs_entry_jumppad:
0x0: {  	(pc) =	sbr.rel $0x88, $3  }
0x1: {  	(tag) =	ssettag $0x0;
	lr =	simm.s32 $0x1  }
0x2: {  	[smem:$0x3F9C] =	sst lr;
	_ =	strace $0xD0000000  }
0x3: {  	_ = 	snop  }
0x4: {  	_ = 	snop  }
0x5: {  	_ = 	snop  }
0x6: {  	_ = 	snop  }
0x7: {  	_ = 	snop  }
__scs_overlays_trampoline_lowered:
0x8: {  	[smem:$0x3FAB] =	sst s0  }
0x9: {  	[smem:$0x3FAC] =	sst s1  }
0xa: {  	[smem:$0x3FAD] =	sst s2  }
0xb: {  	[smem:$0x3FAE] =	sst s3  }
0xc: {  	[smem:$0x3FAF] =	sst s4  }
0xd: {  	[smem:$0x3FB0] =	sst s5  }
0xe: {  	[smem:$0x3FB1] =	sst s6  }
0xf: {  	[smem:$0x3FB2] =	sst s7  }
0x10: {  	[smem:$0x3FB3] =	sst s8  }
0x11: {  	[smem:$0x3FB4] =	sst s9;
	s0 =	simm.s32 @!p0 $0x0  }
0x12: {  	s1 =	sld [smem:$0x3F9A];
	s0 =	simm.s32 @p0 $0x1  }
0x13: {  	[smem:$0x3FB5] =	sst s0;
	s0 =	simm.s32 @!p1 $0x0  }
0x14: {  	s2 =	sld [smem:$0x3F99];
	s0 =	simm.s32 @p1 $0x1  }
0x15: {  	[smem:$0x3FB6] =	sst s0;
	s0 =	simm.s32 @!p2 $0x0  }
0x16: {  	s3 =	sld [smem:$0x3FDB];
	s0 =	simm.s32 @p2 $0x1  }
0x17: {  	s4 =	simm.s32 $0x1BF5;
	[smem:$0x3FB8] =	sst s0  }
0x18: {  	s0 =	sld [smem:$0x3F9B];
	_ =	swait.ge [sflag:s4], $0x0  }
0x19: {  	s7 =	sld [smem:$0x3F9C]  }
0x1a: {  	s8 =	sadd.s32 $0xFFFFE003, lr  }
0x1b: {  	s9 =	sadd.s32 $0xFFFFFEF7, lr;
	s5 =	simm.s32 $0xFFFFFFFF;
	p2 =	slt.u32 s8, $0xFFFFF086  }
0x1c: {  	p1 =	slt.u32 s9, $0xF7A;
	s5 =	simm.s32 @!p2 $0x0  }
0x1d: {  	s5 =	simm.s32 @p1 $0x1;
	p0 =	seq.s32 s7, s2  }
0x1e: {  	s7 =	smul.u32 @!p0 $0xF7A, s2;
	p2 =	seq.s32 @!p0 s5, $0x0  }
0x1f: {  	s9 =	smul.u32 $0xF7A, s1;
	s8 =	simm.s32 @!p0 $0x1BF5;
	p2 =	por !p2, p0  }
0x20: {  	[sflag:s8] =	ssyncset.s32 @!p0 $0xFFFFF086;
	s6 =	sadd.s32 @!p0 s3, s7;
	s7 =	simm.s32 @!p0 $0x108  }
0x21: {  	s3 =	sadd.s32 s3, s9;
	s6 =	sadd.s32 @!p0 $0x88, s6;
	s7 =	simm.s32 @p2 $0x1082  }
0x22: {  	[simem:s7], [sflag:s8] =	dma.local @!p0 [hbm:s6], $0xF7A  }
0x23: {  	s9 =	sor.u32 $0xD0000000, s2;
	s6 =	simm.s32 $0x108;
	_ =	swait.ge @!p0 [sflag:s8], $0x0  }
0x24: {  	s3 =	sadd.s32 $0x88, s3;
	s6 =	simm.s32 @!p1 $0x1082;
	[sflag:s4] =	ssyncset.s32 $0xFFFFF086  }
0x25: {  	[simem:s6], [sflag:s4] =	dma.local [hbm:s3], $0xF7A  }
0x26: {  	[smem:$0x3F9C] =	sst s1;
	(tag) =	ssettag s2;
	_ =	strace s9  }
0x27: {  	s1 =	sld [smem:$0x3FAC]  }
0x28: {  	s2 =	sld [smem:$0x3FAD]  }
0x29: {  	s4 =	sld [smem:$0x3FAF]  }
0x2a: {  	p0 =	seq.s32 s5, $0x0;
	s5 =	sld [smem:$0x3FB0]  }
0x2b: {  	s6 =	sld [smem:$0x3FB1]  }
0x2c: {  	s7 =	sld [smem:$0x3FB2]  }
0x2d: {  	s3 =	simm.s32 $0x108;
	s8 =	sld [smem:$0x3FB3]  }
0x2e: {  	s3 =	simm.s32 @!p0 $0x1082;
	s9 =	sld [smem:$0x3FB4]  }
0x2f: {  	lr =	sadd.s32 s0, s3;
	s0 =	sld [smem:$0x3FAB]  }
0x30: {  	s3 =	sld [smem:$0x3FAE]  }
0x31: {  	[smem:$0x3FB7] =	sst s10  }
0x32: {  	s10 =	sld [smem:$0x3FB5];
	_ =	sdelay $0x3  }
0x33: {  	p0 =	seq.s32 s10, $0x1;
	s10 =	sld [smem:$0x3FB7];
	_ =	sdelay $0x3  }
0x34: {  	[smem:$0x3FB7] =	sst s10  }
0x35: {  	s10 =	sld [smem:$0x3FB6];
	_ =	sdelay $0x3  }
0x36: {  	p1 =	seq.s32 s10, $0x1;
	s10 =	sld [smem:$0x3FB7];
	_ =	sdelay $0x3  }
0x37: {  	[smem:$0x3FB7] =	sst s10  }
0x38: {  	s10 =	sld [smem:$0x3FB8]  }
0x39: {  	_ = 	snop;
	(pc) =	sbr.ind lr, $3  }
0x3a: {  	_ = 	snop  }
0x3b: {  	_ = 	snop  }
0x3c: {  	p2 =	seq.s32 s10, $0x1;
	s10 =	sld [smem:$0x3FB7]  }
0x3d: {  	_ =	shalt  }
0x3e: {  	_ =	shalt  }
0x3f: {  	_ =	shalt  }
0x40: {  	_ =	shalt  }
0x41: {  	_ =	shalt  }
0x42: {  	_ =	shalt  }
0x43: {  	_ =	shalt  }
0x44: {  	_ =	shalt  }
0x45: {  	_ =	shalt  }
0x46: {  	_ =	shalt  }
0x47: {  	_ =	shalt  }
0x48: {  	_ =	shalt  }
0x49: {  	_ =	shalt  }
0x4a: {  	_ =	shalt  }
0x4b: {  	_ =	shalt  }
0x4c: {  	_ =	shalt  }
0x4d: {  	_ =	shalt  }
0x4e: {  	_ =	shalt  }
0x4f: {  	_ =	shalt  }
0x50: {  	_ =	shalt  }
0x51: {  	_ =	shalt  }
0x52: {  	_ =	shalt  }
0x53: {  	_ =	shalt  }
0x54: {  	_ =	shalt  }
0x55: {  	_ =	shalt  }
0x56: {  	_ =	shalt  }
0x57: {  	_ =	shalt  }
0x58: {  	_ =	shalt  }
0x59: {  	_ =	shalt  }
0x5a: {  	_ =	shalt  }
0x5b: {  	_ =	shalt  }
0x5c: {  	_ =	shalt  }
0x5d: {  	_ =	shalt  }
0x5e: {  	_ =	shalt  }
0x5f: {  	_ =	shalt  }
0x60: {  	_ =	shalt  }
0x61: {  	_ =	shalt  }
0x62: {  	_ =	shalt  }
0x63: {  	_ =	shalt  }
0x64: {  	_ =	shalt  }
0x65: {  	_ =	shalt  }
0x66: {  	_ =	shalt  }
0x67: {  	_ =	shalt  }
0x68: {  	_ =	shalt  }
0x69: {  	_ =	shalt  }
0x6a: {  	_ =	shalt  }
0x6b: {  	_ =	shalt  }
0x6c: {  	_ =	shalt  }
0x6d: {  	_ =	shalt  }
0x6e: {  	_ =	shalt  }
0x6f: {  	_ =	shalt  }
0x70: {  	_ =	shalt  }
0x71: {  	_ =	shalt  }
0x72: {  	_ =	shalt  }
0x73: {  	_ =	shalt  }
0x74: {  	_ =	shalt  }
0x75: {  	_ =	shalt  }
0x76: {  	_ =	shalt  }
0x77: {  	_ =	shalt  }
0x78: {  	_ =	shalt  }
0x79: {  	_ =	shalt  }
0x7a: {  	_ =	shalt  }
0x7b: {  	_ =	shalt  }
0x7c: {  	_ =	shalt  }
0x7d: {  	_ =	shalt  }
0x7e: {  	_ =	shalt  }
0x7f: {  	_ =	shalt  }
0x80: {  	_ =	shalt  }
0x81: {  	_ =	shalt  }
0x82: {  	_ =	shalt  }
0x83: {  	_ =	shalt  }
0x84: {  	_ =	shalt  }
0x85: {  	_ =	shalt  }
0x86: {  	_ =	shalt  }
0x87: {  	_ =	shalt  }
.Lfunc_end0:
.L_simem_size_0:
called_computation_lowered:
.L_overlay_start_0:
0x88: {  	s2 =	sld [smem:$0x3FD9]  }
0x89: {  	s3 =	sld [smem:$0x3FFE];
	_ =	sdelay $0x1  }
0x8a: {  	s1 =	srdreg.scid  }
0x8b: {  	s0 =	sand.u32 $0x1, s1  }
0x8c: {  	s14 =	sshll.u32 s0, $0xA;
	s2 =	sadd.s32 s3, s2  }
0x8d: {  	s2 =	sadd.s32 s2, s14  }
0x8e: {  	[smem:$0x3FC3] =	sst s2  }
0x8f: {  	_ = 	snop  }
0x90: {  	s2 =	sld [smem:$0x3FD0];
	_ =	sdelay $0x2  }
0x91: {  	s4 =	simm.s32 $0xA;
	s5 =	simm.s32 $0x10;
	s15 =	sld [smem:$0x3FC5]  }
0x92: {  	[smem:s5], [sflag:s4] =	dma.local [hbm:s2], $0x1  }
0x93: {  	_ =	swait.eq [sflag:s4], $0x1  }
0x94: {  	[sflag:s4] =	ssyncset.done $0x0  }
0x95: {  	[sflag:s4] =	ssyncadd.s32 $0xFFFFFFFF  }
0x96: {  	s16 =	sld [smem:$0x10];
	(tm) =	ssettm $0x1  }
0x97: {  	s17 =	sld [smem:$0x3FFB];
	_ =	sdelay $0x3  }
0x98: {  	_ =	strace s17  }
0x99: {  	s4 =	sld [smem:$0x3FFC];
	_ =	sdelay $0x3  }
0x9a: {  	_ =	strace s4  }
0x9b: {  	s4 =	sld [smem:$0x3FFD];
	_ =	sdelay $0x3  }
0x9c: {  	_ =	strace s4  }
0x9d: {  	_ =	strace $0x8FFFFFFF  }
0x9e: {  	s18 =	sld [smem:$0x3FDB];
	_ =	sdelay $0x1  }
0x9f: {  	s19 =	simm.s32 $_scs_section_size  }
0xa0: {  	s6 =	simm.s32 $_size__tile_overlayer_lowered;
	s7 =	simm.s32 $_tile_overlayer_lowered  }
0xa1: {  	s22 =	simm.s32 $0x1BFF;
	s21 =	sshll.u32 s7, $0x1;
	s4 =	sadd.s32 s19, s18  }
0xa2: {  	s8 =	simm.s32 $0x0;
	s20 =	sshll.u32 s6, $0x1;
	s6 =	sadd.s32 s21, s4  }
0xa3: {  	[timem:s8], [sflag:s22] =	dma.local [hbm:s6], s20  }
0xa4: {  	_ =	swait.ge [sflag:s22], s20  }
0xa5: {  	s5 =	ssub.s32 $0x0, s20;
	[sflag:s22] =	ssyncset.done $0x0  }
0xa6: {  	[sflag:s22] =	ssyncadd.s32 s5;
	_ =	sdelay $0x1  }
0xa7: {  	s23 =	simm.s32 $0x1B8B  }
0xa8: {  	_ =	swait.ge [sflag:s23], $0x1  }
0xa9: {  	[sflag:s23] =	ssyncset.done $0x0  }
0xaa: {  	s25 =	simm.s32 $0x1B8E;
	s24 =	sld [smem:$0x3FFE];
	[sflag:s23] =	ssyncadd.s32 $0xFFFFFFFF  }
0xab: {  	s26 =	simm.s32 $execute0_lowered;
	[smem:$0x3FD2] =	sst s25  }
0xac: {  	s6 =	sshll.u32 s26, $0x1;
	_ =	strace $0x80000046;
	[dreg:$0x1] =	wrdreg $0xFFFFFFFF  }
0xad: {  	s28 =	simm.s32 $_size_execute0_lowered;
	s4 =	sadd.s32 s4, s6;
	[dreg:$0x0] =	wrdreg $0x0  }
0xae: {  	s6 =	sshll.u32 s28, $0x1;
	[dreg:$0x2] =	wrdreg s4  }
0xaf: {  	[dreg:$0x3] =	wrdreg s6  }
0xb0: {  	[dreg:$0x4] =	wrdreg $0xC0  }
0xb1: {  	_ =	task [dreg:s8], $0x5FFFF  }
0xb2: {  	[dreg:$0x1] =	wrdreg $0xFFFFFFFF  }
0xb3: {  	[dreg:$0x0] =	wrdreg $0x60  }
0xb4: {  	[dreg:$0x2] =	wrdreg s15  }
0xb5: {  	[dreg:$0x3] =	wrdreg s24  }
0xb6: {  	[dreg:$0x4] =	wrdreg s16  }
0xb7: {  	[dreg:$0x5] =	wrdreg $0x9  }
0xb8: {  	_ =	task.clear_ibuf [dreg:s8], $0x6FFFF;
	_ =	strace $0x90000046  }
0xb9: {  	s29 =	simm.s32 $0x9;
	_ =	strace $0x80000048  }
0xba: {  	_ =	swait.ge [sflag:s29], $0x1  }
0xbb: {  	[sflag:s29] =	ssyncadd.s32 $0xFFFFFFFF  }
0xbc: {  	_ =	strace $0x90000048  }
0xbd: {  	_ =	sfence  }
0xbe: {  	s30 =	sld [smem:$0x0];
	_ =	sdelay $0x2  }
0xbf: {  	s31 =	sshll.u32 s1, $0xD;
	s1 =	sshrl.u32 s1, $0x2  }
0xc0: {  	s3 =	sand.u32 $0x4000, s31;
	s1 =	sadd.s32 s1, s30  }
0xc1: {  	s0 =	sor.u32 s3, s0;
	s1 =	sshll.u32 s1, $0x11  }
0xc2: {  	s0 =	sor.u32 s1, s0  }
0xc3: {  	s0 =	sadd.s32 $0x8F2B, s0  }
0xc4: {  	[sflag:s0] =	ssyncadd.remote.s32 $0x1  }
0xc5: {  	_ =	sfence.sel $0xFFFF  }
0xc6: {  	[dreg:$0x0] =	wrdreg $0xFFFFFFFF;
	(pc) =	sbr.abs _section_cstart, $3  }
0xc7: {  	[dreg:$0x1] =	wrdreg $0xFFFFFFFF  }
0xc8: {  	_ =	task.clear_ibuf [dreg:s8], $0x2FFFF;
	_ =	strace $0x9FFFFFFF  }
0xc9: {  	(tm) =	ssettm $0x7FFFFFFF  }
tec
execute0_lowered:
.L_overlay_start_1:
0x0: {  	(tag) =	ssettag $0x1  }
0x1: {  	s1 =	rddreg [dreg:$0x0]  }
0x2: {  	s0 =	srdreg.scid;
	s3 =	rddreg [dreg:$0x1]  }
0x3: {  	s5 =	stileid.u32;
	s4 =	rddreg [dreg:$0x2]  }
0x4: {  	s29 =	simm.s32 $0x0;
	s12 =	simm.s32 $0x400;
	s13 =	simm.s32 $0x2  }
0x5: {  	s11 =	simm.s32 $0xA400;
	s10 =	simm.s32 $0xBC00;
	s15 =	simm.s32 $0xC400  }
0x6: {  	s16 =	simm.s32 $0xCC00;
	s17 =	simm.s32 $0xD400;
	s18 =	simm.s32 $0xDC00  }
0x7: {  	s19 =	simm.s32 $0xE400;
	s20 =	simm.s32 $0xEC00;
	s21 =	simm.s32 $0xF400  }
0x8: {  	s22 =	simm.s32 $0xFC00;
	s23 =	simm.s32 $0x10400;
	s0 =	sand.u32 $0x1, s0  }
0x9: {  	s2 =	sshll.u32 s5, $0x1;
	s5 =	sshll.u32 s5, $0x7;
	[smem:$0x7FF] =	sst s29  }
0xa: {  	v4 =	vlaneseq.u32;
	s7 =	sadd.s32 $0x200, s1;
	s8 =	sadd.s32 $0x300, s1;
	s2 =	sor.u32 s0, s2  }
0xb: {  	v1 =	vimm.s32 $0x7;
	v3 =	vimm.s32 $0x3;
	vm0 =	vmmov $0xffff;
	s0 =	ssub.s32 $0x2, s0;
	_ =	strace $0x80000047;
	s6 =	sshll.u32 s2, $0x4  }
0xc: {  	v5 =	vimm.s32 $0x0;
	v6 =	vimm.s32 $0x1;
	v7 =	vimm.s32 $0x2;
	s30 =	sshrl.u32 s0, $0x1;
	s2 =	sshll.u32 s2, $0xD;
	s5 =	sor.u32 s5, s6  }
0xd: {  	v8 =	vimm.s32 $0x4;
	v9 =	vimm.s32 $0x5;
	v10 =	vimm.s32 $0x6;
	s0 =	ssub.s32 s0, s30;
	s6 =	sadd.s32 $0x100, s1;
	s5 =	sand.u32 $0x670, s5  }
0xe: {  	v11 =	vimm.s32 $0x8;
	v12 =	vimm.s32 $0x9;
	v13 =	vimm.s32 $0xA;
	s9 =	sadd.s32 s4, s2;
	s0 =	smax.u32 s0, $0x1;
	s3 =	sadd.s32 s5, s3  }
0xf: {  	v14 =	vimm.s32 $0xB;
	v15 =	vimm.s32 $0xC;
	v16 =	vimm.s32 $0xD;
	s4 =	simm.s32 $0xAC00;
	[dreg:$0x6] =	wrdreg s0;
	s31 =	sadd.s32 $0x11600, s3  }
0x10: {  	v17 =	vimm.s32 $0xE;
	v18 =	vimm.s32 $0xF;
	v2 =	vshrl.u32 v4, $0x3;
	s2 =	simm.s32 $0x0;
	s3 =	sadd.s32 $0x11E00, s3;
	[dreg:$0x4] =	wrdreg s31  }
0x11: {  	v0 =	vand.u32 $0x7, v4;
	v4 =	vor.u32 $0x8, v4;
	v2 =	vmul.u32 $0x8, v2;
	s5 =	simm.s32 $0xB400;
	[dreg:$0x5] =	wrdreg s3;
	s3 =	simm.s32 $0x1  }
.LBB2_1:
0x12: {  	[dreg:$0x7] =	wrdreg s2  }
0x13: {  	s0 =	simm.s32 $0x0;
	s29 =	rddreg [dreg:$0x4];
	s14 =	simm.s32 $0x80  }
0x14: {  	[tilespmem:s0], [sflag:$0x2] =	stream.strided.gather [hbm4b:s29+s14], $0x200, s12, s14, $0x38;
	[tilespmem:$0x12400] =	vst v63  }
0x15: {  	_ =	swait.ge [sflag:s13], $0x200  }
0x16: {  	[sflag:s13] =	ssyncset.done $0x0  }
0x17: {  	s31 =	simm.s32 $0x200;
	s30 =	rddreg [dreg:$0x5];
	[sflag:s13] =	ssyncadd.s32 $0xFFFFFE00  }
0x18: {  	[tilespmem:s31], [sflag:$0x2] =	stream.strided.gather [hbm4b:s30+s14], $0x200, s12, s14, $0x38;
	[tilespmem:$0x12400] =	vst v63  }
0x19: {  	_ =	swait.ge [sflag:s13], $0x200  }
0x1a: {  	[sflag:s13] =	ssyncset.done $0x0  }
0x1b: {  	s24 =	simm.s32 $0x0;
	[sflag:s13] =	ssyncadd.s32 $0xFFFFFE00  }
.LBB2_2:
0x1c: {  	s25 =	sshll.u32 s24, $0x6  }
0x1d: {  	v19 =	vld [tilespmem:s25+$0x0];
	_ =	sdelay $0x4  }
0x1e: {  	v20 =	vshll.u32 v19, $0x3  }
0x1f: {  	v19 =	vand.u32 $0x7, v19;
	v20 =	vand.u32 $0xFFFFFFC0, v20  }
0x20: {  	v19 =	vor.u32 v19, v20  }
0x21: {  	v20 =	vperm.xlane v19, v0;
	_ =	sdelay $0x1  }
0x22: {  	v20 =	vadd.s32 v2, v20;
	_ =	sdelay $0x3  }
0x23: {  	s31 =	simm.s32 $0x0  }
0x24: {  	[tilespmem:s12], [sflag:$0x1] =	stream.indirect_vreg.gather [hbm4b:s1+s31], $0x80, v20, vm0, $0xb8;
	[tilespmem:$0x12400] =	vst v63  }
0x25: {  	s0 =	simm.s32 $0xC00;
	v19 =	vperm.xlane v19, v4  }
0x26: {  	[tilespmem:s0], [sflag:$0x1] =	stream.indirect_vreg.gather [hbm4b:s6+s31], $0x80, v20, vm0, $0xb8;
	[tilespmem:$0x12400] =	vst v63  }
0x27: {  	s2 =	simm.s32 $0x1400;
	v19 =	vadd.s32 v2, v19  }
0x28: {  	[tilespmem:s2], [sflag:$0x1] =	stream.indirect_vreg.gather [hbm4b:s7+s31], $0x80, v20, vm0, $0xb8;
	[tilespmem:$0x12400] =	vst v63  }
0x29: {  	s14 =	simm.s32 $0x1C00  }
0x2a: {  	[tilespmem:s14], [sflag:$0x1] =	stream.indirect_vreg.gather [hbm4b:s8+s31], $0x80, v20, vm0, $0xb8;
	[tilespmem:$0x12400] =	vst v63  }
0x2b: {  	s26 =	simm.s32 $0x2400  }
0x2c: {  	[tilespmem:s26], [sflag:$0x1] =	stream.indirect_vreg.gather [hbm4b:s1+s31], $0x80, v19, vm0, $0xb8;
	[tilespmem:$0x12400] =	vst v63  }
0x2d: {  	s2 =	simm.s32 $0x2C00  }
0x2e: {  	[tilespmem:s2], [sflag:$0x1] =	stream.indirect_vreg.gather [hbm4b:s6+s31], $0x80, v19, vm0, $0xb8;
	[tilespmem:$0x12400] =	vst v63  }
0x2f: {  	s14 =	simm.s32 $0x3400  }
0x30: {  	[tilespmem:s14], [sflag:$0x1] =	stream.indirect_vreg.gather [hbm4b:s7+s31], $0x80, v19, vm0, $0xb8;
	[tilespmem:$0x12400] =	vst v63  }
0x31: {  	s26 =	simm.s32 $0x3C00  }
0x32: {  	[tilespmem:s26], [sflag:$0x1] =	stream.indirect_vreg.gather [hbm4b:s8+s31], $0x80, v19, vm0, $0xb8;
	[tilespmem:$0x12400] =	vst v63  }
0x33: {  	v19 =	vld [tilespmem:s25+$0x10];
	_ =	sdelay $0x4  }
0x34: {  	v20 =	vshll.u32 v19, $0x3  }
0x35: {  	v19 =	vand.u32 $0x7, v19;
	v20 =	vand.u32 $0xFFFFFFC0, v20  }
0x36: {  	v19 =	vor.u32 v19, v20  }
0x37: {  	v20 =	vperm.xlane v19, v0;
	_ =	sdelay $0x1  }
0x38: {  	v20 =	vadd.s32 v2, v20;
	_ =	sdelay $0x3  }
0x39: {  	s2 =	simm.s32 $0x4400  }
0x3a: {  	[tilespmem:s2], [sflag:$0x1] =	stream.indirect_vreg.gather [hbm4b:s1+s31], $0x80, v20, vm0, $0xb8;
	[tilespmem:$0x12400] =	vst v63  }
0x3b: {  	s14 =	simm.s32 $0x4C00;
	v19 =	vperm.xlane v19, v4  }
0x3c: {  	[tilespmem:s14], [sflag:$0x1] =	stream.indirect_vreg.gather [hbm4b:s6+s31], $0x80, v20, vm0, $0xb8;
	[tilespmem:$0x12400] =	vst v63  }
0x3d: {  	s26 =	simm.s32 $0x5400;
	v19 =	vadd.s32 v2, v19  }
0x3e: {  	[tilespmem:s26], [sflag:$0x1] =	stream.indirect_vreg.gather [hbm4b:s7+s31], $0x80, v20, vm0, $0xb8;
	[tilespmem:$0x12400] =	vst v63  }
0x3f: {  	s2 =	simm.s32 $0x5C00  }
0x40: {  	[tilespmem:s2], [sflag:$0x1] =	stream.indirect_vreg.gather [hbm4b:s8+s31], $0x80, v20, vm0, $0xb8;
	[tilespmem:$0x12400] =	vst v63  }
0x41: {  	s14 =	simm.s32 $0x6400  }
0x42: {  	[tilespmem:s14], [sflag:$0x1] =	stream.indirect_vreg.gather [hbm4b:s1+s31], $0x80, v19, vm0, $0xb8;
	[tilespmem:$0x12400] =	vst v63  }
0x43: {  	s26 =	simm.s32 $0x6C00  }
0x44: {  	[tilespmem:s26], [sflag:$0x1] =	stream.indirect_vreg.gather [hbm4b:s6+s31], $0x80, v19, vm0, $0xb8;
	[tilespmem:$0x12400] =	vst v63  }
0x45: {  	s2 =	simm.s32 $0x7400  }
0x46: {  	[tilespmem:s2], [sflag:$0x1] =	stream.indirect_vreg.gather [hbm4b:s7+s31], $0x80, v19, vm0, $0xb8;
	[tilespmem:$0x12400] =	vst v63  }
0x47: {  	s14 =	simm.s32 $0x7C00  }
0x48: {  	[tilespmem:s14], [sflag:$0x1] =	stream.indirect_vreg.gather [hbm4b:s8+s31], $0x80, v19, vm0, $0xb8;
	[tilespmem:$0x12400] =	vst v63  }
0x49: {  	v19 =	vld [tilespmem:s25+$0x20];
	_ =	sdelay $0x4  }
0x4a: {  	v20 =	vshll.u32 v19, $0x3  }
0x4b: {  	v19 =	vand.u32 $0x7, v19;
	v20 =	vand.u32 $0xFFFFFFC0, v20  }
0x4c: {  	v19 =	vor.u32 v19, v20  }
0x4d: {  	v20 =	vperm.xlane v19, v0;
	_ =	sdelay $0x1  }
0x4e: {  	v20 =	vadd.s32 v2, v20;
	_ =	sdelay $0x3  }
0x4f: {  	s26 =	simm.s32 $0x8400  }
0x50: {  	[tilespmem:s26], [sflag:$0x1] =	stream.indirect_vreg.gather [hbm4b:s1+s31], $0x80, v20, vm0, $0xb8;
	[tilespmem:$0x12400] =	vst v63  }
0x51: {  	s2 =	simm.s32 $0x8C00;
	v19 =	vperm.xlane v19, v4  }
0x52: {  	[tilespmem:s2], [sflag:$0x1] =	stream.indirect_vreg.gather [hbm4b:s6+s31], $0x80, v20, vm0, $0xb8;
	[tilespmem:$0x12400] =	vst v63  }
0x53: {  	s14 =	simm.s32 $0x9400;
	v19 =	vadd.s32 v2, v19  }
0x54: {  	[tilespmem:s14], [sflag:$0x1] =	stream.indirect_vreg.gather [hbm4b:s7+s31], $0x80, v20, vm0, $0xb8;
	[tilespmem:$0x12400] =	vst v63  }
0x55: {  	s26 =	simm.s32 $0x9C00  }
0x56: {  	[tilespmem:s26], [sflag:$0x1] =	stream.indirect_vreg.gather [hbm4b:s8+s31], $0x80, v20, vm0, $0xb8;
	[tilespmem:$0x12400] =	vst v63  }
0x57: {  	_ = 	snop  }
0x58: {  	[tilespmem:s11], [sflag:$0x1] =	stream.indirect_vreg.gather [hbm4b:s1+s31], $0x80, v19, vm0, $0xb8;
	[tilespmem:$0x12400] =	vst v63  }
0x59: {  	_ = 	snop  }
0x5a: {  	[tilespmem:s4], [sflag:$0x1] =	stream.indirect_vreg.gather [hbm4b:s6+s31], $0x80, v19, vm0, $0xb8;
	[tilespmem:$0x12400] =	vst v63  }
0x5b: {  	_ = 	snop  }
0x5c: {  	[tilespmem:s5], [sflag:$0x1] =	stream.indirect_vreg.gather [hbm4b:s7+s31], $0x80, v19, vm0, $0xb8;
	[tilespmem:$0x12400] =	vst v63  }
0x5d: {  	_ = 	snop  }
0x5e: {  	[tilespmem:s10], [sflag:$0x1] =	stream.indirect_vreg.gather [hbm4b:s8+s31], $0x80, v19, vm0, $0xb8;
	[tilespmem:$0x12400] =	vst v63  }
0x5f: {  	v19 =	vld [tilespmem:s25+$0x30];
	_ =	sdelay $0x4  }
0x60: {  	v20 =	vshll.u32 v19, $0x3  }
0x61: {  	v19 =	vand.u32 $0x7, v19;
	v20 =	vand.u32 $0xFFFFFFC0, v20  }
0x62: {  	v19 =	vor.u32 v19, v20  }
0x63: {  	v20 =	vperm.xlane v19, v0;
	_ =	sdelay $0x1  }
0x64: {  	v20 =	vadd.s32 v2, v20;
	_ =	sdelay $0x4  }
0x65: {  	[tilespmem:s15], [sflag:$0x1] =	stream.indirect_vreg.gather [hbm4b:s1+s31], $0x80, v20, vm0, $0xb8;
	[tilespmem:$0x12400] =	vst v63  }
0x66: {  	v19 =	vperm.xlane v19, v4  }
0x67: {  	[tilespmem:s16], [sflag:$0x1] =	stream.indirect_vreg.gather [hbm4b:s6+s31], $0x80, v20, vm0, $0xb8;
	[tilespmem:$0x12400] =	vst v63  }
0x68: {  	v19 =	vadd.s32 v2, v19  }
0x69: {  	[tilespmem:s17], [sflag:$0x1] =	stream.indirect_vreg.gather [hbm4b:s7+s31], $0x80, v20, vm0, $0xb8;
	[tilespmem:$0x12400] =	vst v63  }
0x6a: {  	_ = 	snop  }
0x6b: {  	[tilespmem:s18], [sflag:$0x1] =	stream.indirect_vreg.gather [hbm4b:s8+s31], $0x80, v20, vm0, $0xb8;
	[tilespmem:$0x12400] =	vst v63  }
0x6c: {  	_ = 	snop  }
0x6d: {  	[tilespmem:s19], [sflag:$0x1] =	stream.indirect_vreg.gather [hbm4b:s1+s31], $0x80, v19, vm0, $0xb8;
	[tilespmem:$0x12400] =	vst v63  }
0x6e: {  	_ = 	snop  }
0x6f: {  	[tilespmem:s20], [sflag:$0x1] =	stream.indirect_vreg.gather [hbm4b:s6+s31], $0x80, v19, vm0, $0xb8;
	[tilespmem:$0x12400] =	vst v63  }
0x70: {  	_ = 	snop  }
0x71: {  	[tilespmem:s21], [sflag:$0x1] =	stream.indirect_vreg.gather [hbm4b:s7+s31], $0x80, v19, vm0, $0xb8;
	[tilespmem:$0x12400] =	vst v63  }
0x72: {  	_ = 	snop  }
0x73: {  	[tilespmem:s22], [sflag:$0x1] =	stream.indirect_vreg.gather [hbm4b:s8+s31], $0x80, v19, vm0, $0xb8;
	[tilespmem:$0x12400] =	vst v63  }
0x74: {  	_ =	swait.ge [sflag:s3], $0x10000  }
0x75: {  	[sflag:s3] =	ssyncset.done $0x0  }
0x76: {  	s2 =	sand.u32 $0x70, s31;
	s26 =	sand.u32 $0x1C00, s31;
	[sflag:s3] =	ssyncadd.s32 $0xFFFF0000  }
0x77: {  	s26 =	sor.u32 s2, s26;
	v33 =	vld [tilespmem:s25+$0x200]  }
0x78: {  	v19 =	vld [tilespmem:s26+$0x2400]  }
0x79: {  	v20 =	vld [tilespmem:s26+$0x2480];
	_ =	sdelay $0x1  }
0x7a: {  	v21 =	vld [tilespmem:s26+$0x2500]  }
0x7b: {  	v24 =	vperm.xlane v33, v11;
	v25 =	vperm.xlane v33, v12  }
0x7c: {  	v22 =	vld [tilespmem:s26+$0x2580];
	v26 =	vperm.xlane v33, v13  }
0x7d: {  	v19 =	vmul.f32 v19, v24;
	v23 =	vmul.f32 v20, v25  }
0x7e: {  	v28 =	vld [tilespmem:s26+$0x2600]  }
0x7f: {  	v31 =	vld [tilespmem:s26+$0x400];
	v20 =	vperm.xlane v33, v14;
	v19 =	vadd.f32 v23, v19;
	v23 =	vmul.f32 v21, v26  }
0x80: {  	v30 =	vld [tilespmem:s26+$0x2680]  }
0x81: {  	v32 =	vld [tilespmem:s26+$0x480];
	v21 =	vperm.xlane v33, v15;
	v22 =	vmul.f32 v22, v20;
	v23 =	vadd.f32 v23, v19  }
0x82: {  	v34 =	vld [tilespmem:s26+$0x2700];
	v27 =	vperm.xlane v33, v5  }
0x83: {  	v35 =	vld [tilespmem:s26+$0x500];
	v19 =	vperm.xlane v33, v16;
	v36 =	vmul.f32 v28, v21;
	v23 =	vadd.f32 v22, v23  }
0x84: {  	s29 =	simm.s32 $0x10;
	s30 =	simm.s32 $0x80;
	v37 =	vld [tilespmem:s26+$0x2780];
	v29 =	vperm.xlane v33, v6;
	v31 =	vmul.f32 v31, v27  }
0x85: {  	s28 =	sand.u32 $0x1C00, s30;
	s0 =	sand.u32 $0x70, s29;
	v38 =	vld [tilespmem:s26+$0x580];
	v22 =	vperm.xlane v33, v17;
	v30 =	vmul.f32 v30, v19;
	v36 =	vadd.f32 v36, v23  }
0x86: {  	s28 =	sor.u32 s0, s28;
	v39 =	vld [tilespmem:s26+$0x600];
	v32 =	vmul.f32 v32, v29;
	v28 =	vperm.xlane v33, v7  }
0x87: {  	v40 =	vld [tilespmem:s28+$0x2400];
	v23 =	vperm.xlane v33, v18;
	v34 =	vmul.f32 v34, v22;
	v36 =	vadd.f32 v30, v36  }
0x88: {  	v41 =	vld [tilespmem:s28+$0x2480];
	v32 =	vadd.f32 v32, v31;
	v35 =	vmul.f32 v35, v28;
	v30 =	vperm.xlane v33, v3  }
0x89: {  	v43 =	vld [tilespmem:s26+$0x680];
	v60 =	vmul.f32 v37, v23;
	v34 =	vadd.f32 v34, v36  }
0x8a: {  	v44 =	vld [tilespmem:s28+$0x2500];
	v31 =	vperm.xlane v33, v8;
	v61 =	vadd.f32 v35, v32;
	v42 =	vmul.f32 v38, v30  }
0x8b: {  	s14 =	sor.u32 s31, s31;
	v38 =	vld [tilespmem:s26+$0x700];
	v34 =	vadd.f32 v60, v34  }
0x8c: {  	s2 =	sor.u32 $0x380, s14;
	v63 =	vmul.f32 v39, v31;
	v35 =	vld [tilespmem:s28+$0x2580];
	v32 =	vperm.xlane v33, v9;
	v62 =	vadd.f32 v42, v61  }
0x8d: {  	v40 =	vmul.f32 v40, v24;
	v41 =	vmul.f32 v41, v25;
	v39 =	vld [tilespmem:s2+$0x400];
	[tilespmem:s26+$0x10480] =	vst v34  }
0x8e: {  	v43 =	vmul.f32 v43, v32;
	v34 =	vperm.xlane v33, v10;
	v42 =	vadd.f32 v63, v62;
	v37 =	vld [tilespmem:s28+$0x2600]  }
0x8f: {  	s31 =	simm.s32 $0x80;
	v40 =	vadd.f32 v41, v40;
	v41 =	vmul.f32 v44, v26;
	s2 =	simm.s32 $0x20;
	v33 =	vperm.xlane v33, v1;
	v36 =	vld [tilespmem:s28+$0x2680]  }
.LBB2_3:
0x90: {  	p0 =	sne.s32 s2, $0x3F0;
	v44 =	vld [tilespmem:s28+$0x400];
	v42 =	vadd.f32 v43, v42;
	v38 =	vmul.f32 v38, v34  }
0x91: {  	v43 =	vld [tilespmem:s28+$0x480];
	v40 =	vadd.f32 v41, v40;
	v35 =	vmul.f32 v35, v20  }
0x92: {  	v41 =	vld [tilespmem:s28+$0x2700];
	v38 =	vadd.f32 v38, v42;
	v39 =	vmul.f32 v39, v33  }
0x93: {  	v42 =	vld [tilespmem:s28+$0x500];
	v35 =	vadd.f32 v35, v40;
	v37 =	vmul.f32 v37, v21  }
0x94: {  	s30 =	sadd.s32 $0x80, s30;
	v40 =	vld [tilespmem:s28+$0x2780];
	v38 =	vadd.f32 v39, v38  }
0x95: {  	s0 =	sand.u32 $0x70, s2;
	s14 =	sand.u32 $0x1C00, s30;
	v36 =	vmul.f32 v36, v19;
	v39 =	vld [tilespmem:s28+$0x580];
	v35 =	vadd.f32 v37, v35  }
0x96: {  	v37 =	vmul.f32 v44, v27;
	v43 =	vmul.f32 v43, v29;
	v44 =	vld [tilespmem:s28+$0x600];
	[tilespmem:s26+$0x10400] =	vst v38;
	s26 =	smov.u32 s28;
	s28 =	sor.u32 s0, s14  }
0x97: {  	v45 =	vld [tilespmem:s28+$0x2400];
	v35 =	vadd.f32 v36, v35;
	v36 =	vmul.f32 v41, v22  }
0x98: {  	v41 =	vld [tilespmem:s28+$0x2480];
	v37 =	vadd.f32 v43, v37;
	v38 =	vmul.f32 v42, v28  }
0x99: {  	v43 =	vld [tilespmem:s26+$0x680];
	v35 =	vadd.f32 v36, v35;
	v36 =	vmul.f32 v40, v23  }
0x9a: {  	v46 =	vld [tilespmem:s28+$0x2500];
	v37 =	vadd.f32 v38, v37;
	v39 =	vmul.f32 v39, v30  }
.Ltmp0:
0x9b: {  	s0 =	sor.u32 s31, s29;
	s31 =	smov.u32 s30;
	v38 =	vld [tilespmem:s26+$0x700];
	v36 =	vadd.f32 v36, v35;
	(pc) =	sbr.rel @p0 .LBB2_3-.Ltmp0, $4  }
0x9c: {  	s29 =	smov.u32 s2;
	s0 =	sor.u32 $0x380, s0;
	v42 =	vmul.f32 v44, v31;
	v35 =	vld [tilespmem:s28+$0x2580];
	v40 =	vadd.f32 v39, v37  }
0x9d: {  	v44 =	vmul.f32 v45, v24;
	v41 =	vmul.f32 v41, v25;
	v39 =	vld [tilespmem:s0+$0x400];
	[tilespmem:s26+$0x10480] =	vst v36  }
0x9e: {  	v37 =	vld [tilespmem:s28+$0x2600];
	v42 =	vadd.f32 v42, v40;
	v43 =	vmul.f32 v43, v32  }
0x9f: {  	s2 =	sadd.s32 $0x10, s2;
	v40 =	vadd.f32 v41, v44;
	v41 =	vmul.f32 v46, v26;
	v36 =	vld [tilespmem:s28+$0x2680]  }
0xa0: {  	v24 =	vld [tilespmem:s28+$0x400]  }
0xa1: {  	v25 =	vld [tilespmem:s28+$0x480]  }
0xa2: {  	v26 =	vadd.f32 v43, v42;
	v38 =	vmul.f32 v38, v34  }
0xa3: {  	v45 =	vld [tilespmem:s28+$0x500]  }
0xa4: {  	v26 =	vadd.f32 v38, v26;
	v47 =	vmul.f32 v39, v33  }
0xa5: {  	v48 =	vld [tilespmem:s28+$0x580]  }
0xa6: {  	v46 =	vld [tilespmem:s28+$0x2700];
	v26 =	vadd.f32 v47, v26;
	v24 =	vmul.f32 v24, v27;
	v25 =	vmul.f32 v25, v29  }
0xa7: {  	v27 =	vld [tilespmem:s28+$0x600]  }
0xa8: {  	v49 =	vld [tilespmem:s28+$0x2780];
	[tilespmem:s26+$0x10400] =	vst v26;
	v24 =	vadd.f32 v25, v24;
	v25 =	vmul.f32 v45, v28  }
0xa9: {  	v20 =	vmul.f32 v35, v20;
	v26 =	vadd.f32 v41, v40;
	v28 =	vld [tilespmem:s28+$0x680]  }
0xaa: {  	v24 =	vadd.f32 v25, v24;
	v25 =	vmul.f32 v48, v30  }
0xab: {  	s0 =	sor.u32 s31, s29;
	v21 =	vmul.f32 v37, v21;
	v20 =	vadd.f32 v20, v26;
	v26 =	vld [tilespmem:s28+$0x700]  }
0xac: {  	s0 =	sor.u32 $0x380, s0;
	v24 =	vadd.f32 v25, v24;
	v25 =	vmul.f32 v27, v31  }
0xad: {  	v19 =	vmul.f32 v36, v19;
	v20 =	vadd.f32 v21, v20;
	v21 =	vld [tilespmem:s0+$0x400]  }
0xae: {  	v24 =	vadd.f32 v25, v24;
	v25 =	vmul.f32 v28, v32  }
0xaf: {  	v19 =	vadd.f32 v19, v20;
	v20 =	vmul.f32 v46, v22  }
0xb0: {  	v22 =	vadd.f32 v25, v24;
	v24 =	vmul.f32 v26, v34  }
0xb1: {  	v19 =	vadd.f32 v20, v19;
	v20 =	vmul.f32 v49, v23  }
0xb2: {  	v21 =	vmul.f32 v21, v33;
	v22 =	vadd.f32 v24, v22  }
0xb3: {  	v19 =	vadd.f32 v20, v19  }
0xb4: {  	v20 =	vadd.f32 v21, v22  }
0xb5: {  	s26 =	simm.s32 $0x0;
	[tilespmem:s28+$0x10480] =	vst v19  }
0xb6: {  	s31 =	sand.u32 $0x70, s26;
	s2 =	sand.u32 $0x1C00, s26;
	[tilespmem:s28+$0x10400] =	vst v20  }
0xb7: {  	s28 =	sor.u32 s31, s2;
	v50 =	vld [tilespmem:s25+$0x210]  }
0xb8: {  	v25 =	vld [tilespmem:s28+$0x6480]  }
0xb9: {  	v26 =	vld [tilespmem:s28+$0x4480]  }
0xba: {  	v28 =	vld [tilespmem:s28+$0x4400]  }
0xbb: {  	v27 =	vld [tilespmem:s28+$0x6400]  }
0xbc: {  	v30 =	vld [tilespmem:s28+$0x4500];
	v19 =	vperm.xlane v50, v5;
	v20 =	vperm.xlane v50, v6  }
0xbd: {  	v29 =	vld [tilespmem:s28+$0x6500];
	v21 =	vperm.xlane v50, v11;
	v22 =	vperm.xlane v50, v12  }
0xbe: {  	v52 =	vld [tilespmem:s28+$0x4580];
	v23 =	vperm.xlane v50, v7;
	v24 =	vperm.xlane v50, v13  }
0xbf: {  	v31 =	vld [tilespmem:s28+$0x6580];
	v28 =	vmul.f32 v28, v19;
	v53 =	vmul.f32 v26, v20  }
0xc0: {  	v55 =	vld [tilespmem:s28+$0x4600];
	v27 =	vmul.f32 v27, v21;
	v51 =	vmul.f32 v25, v22  }
0xc1: {  	v54 =	vld [tilespmem:s28+$0x6600];
	v26 =	vperm.xlane v50, v3;
	v30 =	vmul.f32 v30, v23;
	v35 =	vadd.f32 v53, v28  }
0xc2: {  	v57 =	vld [tilespmem:s28+$0x4680];
	v25 =	vperm.xlane v50, v14;
	v29 =	vmul.f32 v29, v24;
	v32 =	vadd.f32 v51, v27  }
0xc3: {  	v56 =	vld [tilespmem:s28+$0x6680];
	v28 =	vperm.xlane v50, v8;
	v33 =	vmul.f32 v52, v26;
	v35 =	vadd.f32 v30, v35  }
0xc4: {  	v27 =	vperm.xlane v50, v15;
	v31 =	vmul.f32 v31, v25;
	v32 =	vadd.f32 v29, v32  }
0xc5: {  	v58 =	vld [tilespmem:s28+$0x6700];
	v30 =	vperm.xlane v50, v9;
	v60 =	vmul.f32 v55, v28;
	v33 =	vadd.f32 v33, v35  }
0xc6: {  	v59 =	vld [tilespmem:s28+$0x4700];
	v29 =	vperm.xlane v50, v16;
	v36 =	vmul.f32 v54, v27;
	v32 =	vadd.f32 v31, v32  }
0xc7: {  	v61 =	vld [tilespmem:s28+$0x6780];
	v63 =	vmul.f32 v57, v30;
	v35 =	vadd.f32 v60, v33  }
0xc8: {  	v31 =	vperm.xlane v50, v17;
	v62 =	vmul.f32 v56, v29;
	v36 =	vadd.f32 v36, v32  }
0xc9: {  	v32 =	vperm.xlane v50, v10;
	v37 =	vadd.f32 v63, v35;
	v35 =	vld [tilespmem:s28+$0x4780]  }
0xca: {  	v33 =	vperm.xlane v50, v18;
	v40 =	vmul.f32 v58, v31;
	v36 =	vadd.f32 v62, v36  }
0xcb: {  	v34 =	vperm.xlane v50, v1  }
0xcc: {  	s29 =	simm.s32 $0x10;
	v39 =	vmul.f32 v59, v32;
	v38 =	vmul.f32 v61, v33;
	v36 =	vadd.f32 v40, v36  }
.LBB2_5:
0xcd: {  	p0 =	sne.s32 s29, $0x3F0  }
0xce: {  	v37 =	vadd.f32 v39, v37;
	v35 =	vmul.f32 v35, v34;
	s26 =	sadd.s32 $0x80, s26;
	s0 =	smov.u32 s29;
	s29 =	sadd.s32 $0x10, s29  }
0xcf: {  	v36 =	vadd.f32 v38, v36  }
0xd0: {  	s14 =	sadd.s32 $0x10400, s28;
	s0 =	sand.u32 $0x70, s0;
	s2 =	sand.u32 $0x1C00, s26;
	v35 =	vadd.f32 v35, v37  }
0xd1: {  	s28 =	sor.u32 s0, s2;
	[tilespmem:s14+$0x180] =	vst v36  }
0xd2: {  	[tilespmem:s14+$0x100] =	vst v35  }
0xd3: {  	v35 =	vld [tilespmem:s28+$0x6480]  }
0xd4: {  	v36 =	vld [tilespmem:s28+$0x4480]  }
0xd5: {  	v37 =	vld [tilespmem:s28+$0x6400]  }
0xd6: {  	v38 =	vld [tilespmem:s28+$0x4400]  }
0xd7: {  	v39 =	vld [tilespmem:s28+$0x6500]  }
0xd8: {  	v40 =	vld [tilespmem:s28+$0x4500]  }
0xd9: {  	v41 =	vld [tilespmem:s28+$0x6580]  }
0xda: {  	v35 =	vmul.f32 v35, v22;
	v37 =	vmul.f32 v37, v21;
	v42 =	vld [tilespmem:s28+$0x4580]  }
0xdb: {  	v36 =	vmul.f32 v36, v20;
	v38 =	vmul.f32 v38, v19;
	v43 =	vld [tilespmem:s28+$0x6600]  }
0xdc: {  	v35 =	vadd.f32 v35, v37;
	v37 =	vmul.f32 v39, v24;
	v39 =	vld [tilespmem:s28+$0x4600]  }
0xdd: {  	v36 =	vadd.f32 v36, v38;
	v38 =	vmul.f32 v40, v23;
	v40 =	vld [tilespmem:s28+$0x6680]  }
0xde: {  	v35 =	vadd.f32 v37, v35;
	v37 =	vmul.f32 v41, v25;
	v41 =	vld [tilespmem:s28+$0x4680]  }
0xdf: {  	v36 =	vadd.f32 v38, v36;
	v38 =	vmul.f32 v42, v26;
	v42 =	vld [tilespmem:s28+$0x6700]  }
0xe0: {  	v35 =	vadd.f32 v37, v35;
	v37 =	vmul.f32 v43, v27;
	v43 =	vld [tilespmem:s28+$0x4700]  }
0xe1: {  	v36 =	vadd.f32 v38, v36;
	v38 =	vmul.f32 v39, v28;
	v44 =	vld [tilespmem:s28+$0x6780]  }
.Ltmp1:
0xe2: {  	v37 =	vadd.f32 v37, v35;
	v39 =	vmul.f32 v40, v29;
	v35 =	vld [tilespmem:s28+$0x4780];
	(pc) =	sbr.rel @p0 .LBB2_5-.Ltmp1, $4  }
0xe3: {  	v36 =	vadd.f32 v38, v36;
	v38 =	vmul.f32 v41, v30  }
0xe4: {  	v40 =	vadd.f32 v39, v37;
	v41 =	vmul.f32 v42, v31  }
0xe5: {  	v37 =	vadd.f32 v38, v36;
	v39 =	vmul.f32 v43, v32  }
0xe6: {  	v36 =	vadd.f32 v41, v40;
	v38 =	vmul.f32 v44, v33  }
0xe7: {  	v19 =	vadd.f32 v39, v37;
	v20 =	vmul.f32 v35, v34  }
0xe8: {  	v21 =	vadd.f32 v38, v36  }
0xe9: {  	s0 =	sadd.s32 $0x10400, s28;
	v19 =	vadd.f32 v20, v19  }
0xea: {  	s26 =	simm.s32 $0x0;
	[tilespmem:s0+$0x180] =	vst v21  }
0xeb: {  	s31 =	sand.u32 $0x70, s26;
	s2 =	sand.u32 $0x1C00, s26;
	[tilespmem:s0+$0x100] =	vst v19  }
0xec: {  	s28 =	sor.u32 s31, s2;
	v55 =	vld [tilespmem:s25+$0x220]  }
0xed: {  	v25 =	vld [tilespmem:s28+$0xA480]  }
0xee: {  	v26 =	vld [tilespmem:s28+$0x8480]  }
0xef: {  	v28 =	vld [tilespmem:s28+$0x8400]  }
0xf0: {  	v27 =	vld [tilespmem:s28+$0xA400]  }
0xf1: {  	v30 =	vld [tilespmem:s28+$0x8500];
	v19 =	vperm.xlane v55, v5;
	v20 =	vperm.xlane v55, v6  }
0xf2: {  	v29 =	vld [tilespmem:s28+$0xA500];
	v21 =	vperm.xlane v55, v11;
	v22 =	vperm.xlane v55, v12  }
0xf3: {  	v33 =	vld [tilespmem:s28+$0x8580];
	v23 =	vperm.xlane v55, v7;
	v24 =	vperm.xlane v55, v13  }
0xf4: {  	v31 =	vld [tilespmem:s28+$0xA580];
	v28 =	vmul.f32 v28, v19;
	v56 =	vmul.f32 v26, v20  }
0xf5: {  	v58 =	vld [tilespmem:s28+$0x8600];
	v27 =	vmul.f32 v27, v21;
	v32 =	vmul.f32 v25, v22  }
0xf6: {  	v57 =	vld [tilespmem:s28+$0xA600];
	v26 =	vperm.xlane v55, v3;
	v30 =	vmul.f32 v30, v23;
	v35 =	vadd.f32 v56, v28  }
0xf7: {  	v60 =	vld [tilespmem:s28+$0x8680];
	v25 =	vperm.xlane v55, v14;
	v29 =	vmul.f32 v29, v24;
	v32 =	vadd.f32 v32, v27  }
0xf8: {  	v59 =	vld [tilespmem:s28+$0xA680];
	v28 =	vperm.xlane v55, v8;
	v33 =	vmul.f32 v33, v26;
	v35 =	vadd.f32 v30, v35  }
0xf9: {  	v27 =	vperm.xlane v55, v15;
	v31 =	vmul.f32 v31, v25;
	v32 =	vadd.f32 v29, v32  }
0xfa: {  	v40 =	vld [tilespmem:s28+$0xA700];
	v30 =	vperm.xlane v55, v9;
	v61 =	vmul.f32 v58, v28;
	v33 =	vadd.f32 v33, v35  }
0xfb: {  	v41 =	vld [tilespmem:s28+$0x8700];
	v29 =	vperm.xlane v55, v16;
	v36 =	vmul.f32 v57, v27;
	v32 =	vadd.f32 v31, v32  }
0xfc: {  	v42 =	vld [tilespmem:s28+$0xA780];
	v63 =	vmul.f32 v60, v30;
	v35 =	vadd.f32 v61, v33  }
0xfd: {  	v31 =	vperm.xlane v55, v17;
	v62 =	vmul.f32 v59, v29;
	v36 =	vadd.f32 v36, v32  }
0xfe: {  	v32 =	vperm.xlane v55, v10;
	v37 =	vadd.f32 v63, v35;
	v35 =	vld [tilespmem:s28+$0x8780]  }
0xff: {  	v33 =	vperm.xlane v55, v18;
	v40 =	vmul.f32 v40, v31;
	v36 =	vadd.f32 v62, v36  }
0x100: {  	v34 =	vperm.xlane v55, v1  }
0x101: {  	s29 =	simm.s32 $0x10;
	v39 =	vmul.f32 v41, v32;
	v38 =	vmul.f32 v42, v33;
	v36 =	vadd.f32 v40, v36  }
.LBB2_7:
0x102: {  	p0 =	sne.s32 s29, $0x3F0  }
0x103: {  	v37 =	vadd.f32 v39, v37;
	v35 =	vmul.f32 v35, v34;
	s26 =	sadd.s32 $0x80, s26;
	s0 =	smov.u32 s29;
	s29 =	sadd.s32 $0x10, s29  }
0x104: {  	v36 =	vadd.f32 v38, v36  }
0x105: {  	s14 =	sadd.s32 $0x10400, s28;
	s0 =	sand.u32 $0x70, s0;
	s2 =	sand.u32 $0x1C00, s26;
	v35 =	vadd.f32 v35, v37  }
0x106: {  	s28 =	sor.u32 s0, s2;
	[tilespmem:s14+$0x280] =	vst v36  }
0x107: {  	[tilespmem:s14+$0x200] =	vst v35  }
0x108: {  	v35 =	vld [tilespmem:s28+$0xA480]  }
0x109: {  	v36 =	vld [tilespmem:s28+$0x8480]  }
0x10a: {  	v37 =	vld [tilespmem:s28+$0xA400]  }
0x10b: {  	v38 =	vld [tilespmem:s28+$0x8400]  }
0x10c: {  	v39 =	vld [tilespmem:s28+$0xA500]  }
0x10d: {  	v40 =	vld [tilespmem:s28+$0x8500]  }
0x10e: {  	v41 =	vld [tilespmem:s28+$0xA580]  }
0x10f: {  	v35 =	vmul.f32 v35, v22;
	v37 =	vmul.f32 v37, v21;
	v42 =	vld [tilespmem:s28+$0x8580]  }
0x110: {  	v36 =	vmul.f32 v36, v20;
	v38 =	vmul.f32 v38, v19;
	v43 =	vld [tilespmem:s28+$0xA600]  }
0x111: {  	v35 =	vadd.f32 v35, v37;
	v37 =	vmul.f32 v39, v24;
	v39 =	vld [tilespmem:s28+$0x8600]  }
0x112: {  	v36 =	vadd.f32 v36, v38;
	v38 =	vmul.f32 v40, v23;
	v40 =	vld [tilespmem:s28+$0xA680]  }
0x113: {  	v35 =	vadd.f32 v37, v35;
	v37 =	vmul.f32 v41, v25;
	v41 =	vld [tilespmem:s28+$0x8680]  }
0x114: {  	v36 =	vadd.f32 v38, v36;
	v38 =	vmul.f32 v42, v26;
	v42 =	vld [tilespmem:s28+$0xA700]  }
0x115: {  	v35 =	vadd.f32 v37, v35;
	v37 =	vmul.f32 v43, v27;
	v43 =	vld [tilespmem:s28+$0x8700]  }
0x116: {  	v36 =	vadd.f32 v38, v36;
	v38 =	vmul.f32 v39, v28;
	v44 =	vld [tilespmem:s28+$0xA780]  }
.Ltmp2:
0x117: {  	v37 =	vadd.f32 v37, v35;
	v39 =	vmul.f32 v40, v29;
	v35 =	vld [tilespmem:s28+$0x8780];
	(pc) =	sbr.rel @p0 .LBB2_7-.Ltmp2, $4  }
0x118: {  	v36 =	vadd.f32 v38, v36;
	v38 =	vmul.f32 v41, v30  }
0x119: {  	v40 =	vadd.f32 v39, v37;
	v41 =	vmul.f32 v42, v31  }
0x11a: {  	v37 =	vadd.f32 v38, v36;
	v39 =	vmul.f32 v43, v32  }
0x11b: {  	v36 =	vadd.f32 v41, v40;
	v38 =	vmul.f32 v44, v33  }
0x11c: {  	v19 =	vadd.f32 v39, v37;
	v20 =	vmul.f32 v35, v34  }
0x11d: {  	v21 =	vadd.f32 v38, v36  }
0x11e: {  	s0 =	sadd.s32 $0x10400, s28;
	v19 =	vadd.f32 v20, v19  }
0x11f: {  	[tilespmem:s0+$0x280] =	vst v21  }
0x120: {  	[tilespmem:s0+$0x200] =	vst v19  }
0x121: {  	v22 =	vld [tilespmem:s25+$0x230];
	_ =	sdelay $0x4  }
0x122: {  	v30 =	vperm.xlane v22, v5;
	v31 =	vperm.xlane v22, v6  }
0x123: {  	v28 =	vperm.xlane v22, v7;
	v26 =	vperm.xlane v22, v3  }
0x124: {  	v23 =	vperm.xlane v22, v8;
	v21 =	vperm.xlane v22, v9  }
0x125: {  	s26 =	simm.s32 $0x0;
	v20 =	vperm.xlane v22, v10;
	v19 =	vperm.xlane v22, v1  }
0x126: {  	s31 =	sand.u32 $0x70, s26;
	s2 =	sand.u32 $0x1C00, s26;
	v33 =	vperm.xlane v22, v11;
	v34 =	vperm.xlane v22, v12  }
0x127: {  	s25 =	sor.u32 s31, s2;
	v32 =	vperm.xlane v22, v13;
	v29 =	vperm.xlane v22, v14  }
0x128: {  	v35 =	vld [tilespmem:s25+$0xE400];
	v27 =	vperm.xlane v22, v15;
	v25 =	vperm.xlane v22, v16  }
0x129: {  	s29 =	simm.s32 $0x10;
	s28 =	simm.s32 $0x0;
	v36 =	vld [tilespmem:s25+$0xC400];
	v24 =	vperm.xlane v22, v17;
	v22 =	vperm.xlane v22, v18  }
.LBB2_9:
0x12a: {  	p0 =	sne.s32 s29, $0x3F0;
	v37 =	vld [tilespmem:s25+$0xC480]  }
0x12b: {  	v38 =	vld [tilespmem:s25+$0xE480]  }
0x12c: {  	v39 =	vld [tilespmem:s25+$0xC500]  }
0x12d: {  	v40 =	vld [tilespmem:s25+$0xE500]  }
0x12e: {  	v41 =	vld [tilespmem:s25+$0xC580]  }
0x12f: {  	v36 =	vmul.f32 v36, v30;
	v37 =	vmul.f32 v37, v31;
	v42 =	vld [tilespmem:s25+$0xE580]  }
0x130: {  	v35 =	vmul.f32 v35, v33;
	v38 =	vmul.f32 v38, v34;
	v43 =	vld [tilespmem:s25+$0xC600]  }
0x131: {  	v36 =	vadd.f32 v37, v36;
	v37 =	vmul.f32 v39, v28;
	v39 =	vld [tilespmem:s25+$0xE600]  }
0x132: {  	v35 =	vadd.f32 v38, v35;
	v38 =	vmul.f32 v40, v32;
	v40 =	vld [tilespmem:s25+$0xC680]  }
0x133: {  	v36 =	vadd.f32 v37, v36;
	v37 =	vmul.f32 v41, v26;
	v41 =	vld [tilespmem:s25+$0xE680]  }
0x134: {  	v35 =	vadd.f32 v38, v35;
	v38 =	vmul.f32 v42, v29;
	v42 =	vld [tilespmem:s25+$0xC700]  }
0x135: {  	v36 =	vadd.f32 v37, v36;
	v37 =	vmul.f32 v43, v23;
	v43 =	vld [tilespmem:s25+$0xE700]  }
0x136: {  	v35 =	vadd.f32 v38, v35;
	v38 =	vmul.f32 v39, v27;
	v39 =	vld [tilespmem:s25+$0xC780]  }
0x137: {  	v36 =	vadd.f32 v37, v36;
	v37 =	vmul.f32 v40, v21;
	v40 =	vld [tilespmem:s25+$0xE780]  }
0x138: {  	v35 =	vadd.f32 v38, v35;
	v38 =	vmul.f32 v41, v25  }
0x139: {  	v36 =	vadd.f32 v37, v36;
	v37 =	vmul.f32 v42, v20  }
0x13a: {  	v35 =	vadd.f32 v38, v35;
	v38 =	vmul.f32 v43, v24  }
0x13b: {  	v36 =	vadd.f32 v37, v36;
	v37 =	vmul.f32 v39, v19  }
0x13c: {  	v35 =	vadd.f32 v38, v35;
	v38 =	vmul.f32 v40, v22  }
0x13d: {  	v36 =	vadd.f32 v37, v36  }
.Ltmp3:
0x13e: {  	s0 =	sor.u32 s28, s26;
	s28 =	sadd.s32 $0x80, s28;
	v35 =	vadd.f32 v38, v35;
	(pc) =	sbr.rel @p0 .LBB2_9-.Ltmp3, $4  }
0x13f: {  	s2 =	sand.u32 $0x70, s29;
	s14 =	sand.u32 $0x1C00, s28;
	s0 =	sor.u32 $0x380, s0;
	[tilespmem:s25+$0x10700] =	vst v36  }
0x140: {  	s26 =	smov.u32 s29;
	s25 =	sor.u32 s2, s14;
	[tilespmem:s0+$0x10400] =	vst v35  }
0x141: {  	v35 =	vld [tilespmem:s25+$0xE400]  }
0x142: {  	s29 =	sadd.s32 $0x10, s29;
	v36 =	vld [tilespmem:s25+$0xC400]  }
0x143: {  	v37 =	vld [tilespmem:s25+$0xC480]  }
0x144: {  	v38 =	vld [tilespmem:s25+$0xE480]  }
0x145: {  	v39 =	vld [tilespmem:s25+$0xC500]  }
0x146: {  	v40 =	vld [tilespmem:s25+$0xE500]  }
0x147: {  	v41 =	vld [tilespmem:s25+$0xC580]  }
0x148: {  	v53 =	vld [tilespmem:s25+$0xE580];
	v30 =	vmul.f32 v36, v30;
	v31 =	vmul.f32 v37, v31  }
0x149: {  	v54 =	vld [tilespmem:s25+$0xC600];
	v33 =	vmul.f32 v35, v33;
	v34 =	vmul.f32 v38, v34  }
0x14a: {  	v55 =	vld [tilespmem:s25+$0xE600];
	v28 =	vmul.f32 v39, v28;
	v30 =	vadd.f32 v31, v30  }
0x14b: {  	v56 =	vld [tilespmem:s25+$0xC680];
	v32 =	vmul.f32 v40, v32;
	v33 =	vadd.f32 v34, v33  }
0x14c: {  	v57 =	vld [tilespmem:s25+$0xE680];
	v26 =	vmul.f32 v41, v26;
	v28 =	vadd.f32 v28, v30  }
0x14d: {  	v58 =	vld [tilespmem:s25+$0xC700];
	v29 =	vmul.f32 v53, v29;
	v32 =	vadd.f32 v32, v33  }
0x14e: {  	v59 =	vld [tilespmem:s25+$0xE700];
	v23 =	vmul.f32 v54, v23;
	v26 =	vadd.f32 v26, v28  }
0x14f: {  	v60 =	vld [tilespmem:s25+$0xC780];
	v27 =	vmul.f32 v55, v27;
	v29 =	vadd.f32 v29, v32  }
0x150: {  	v61 =	vld [tilespmem:s25+$0xE780];
	v21 =	vmul.f32 v56, v21;
	v23 =	vadd.f32 v23, v26  }
0x151: {  	v25 =	vmul.f32 v57, v25;
	v27 =	vadd.f32 v27, v29  }
0x152: {  	v20 =	vmul.f32 v58, v20;
	v21 =	vadd.f32 v21, v23  }
0x153: {  	v24 =	vmul.f32 v59, v24;
	v62 =	vadd.f32 v25, v27  }
0x154: {  	v19 =	vmul.f32 v60, v19;
	v20 =	vadd.f32 v20, v21  }
0x155: {  	v22 =	vmul.f32 v61, v22;
	v63 =	vadd.f32 v24, v62  }
0x156: {  	v19 =	vadd.f32 v19, v20  }
0x157: {  	s0 =	sor.u32 s28, s26;
	s2 =	sshll.u32 s24, $0xA;
	s24 =	sadd.s32 $0x1, s24;
	v20 =	vadd.f32 v22, v63  }
0x158: {  	s0 =	sor.u32 $0x380, s0;
	p0 =	sne.s32 s24, $0x8;
	[tilespmem:s25+$0x10700] =	vst v19  }
.Ltmp4:
0x159: {  	s31 =	simm.s32 $0x0;
	s30 =	sadd.s32 s2, s9;
	[tilespmem:s0+$0x10400] =	vst v20;
	(pc) =	sbr.rel @p0 .LBB2_2-.Ltmp4, $4  }
0x15a: {  	[hbm4b:s30+s31] =	stream.linear.scatter [tilespmem:s23], [sflag:$0x2], $0x2000, $0x38;
	[tilespmem:$0x12400] =	vst v63  }
0x15b: {  	_ =	swait.ge [sflag:s13], $0x2000  }
0x15c: {  	[sflag:s13] =	ssyncset.done $0x0  }
0x15d: {  	[sflag:s13] =	ssyncadd.s32 $0xFFFFE000  }
0x15e: {  	s2 =	rddreg [dreg:$0x7]  }
0x15f: {  	s0 =	rddreg [dreg:$0x6];
	s2 =	sadd.s32 $0x1, s2  }
0x160: {  	p0 =	sne.s32 s2, s0  }
.Ltmp5:
0x161: {  	_ = 	snop;
	(pc) =	sbr.rel @p0 .LBB2_1-.Ltmp5, $1  }
0x162: {  	_ =	sdelay $0x3  }
0x163: {  	_ =	sfence.sel $0x180000  }
0x164: {  	[bflag:$0x0] =	sbarrier.arrive $0xFFFF  }
0x165: {  	_ =	strace $0x90000047  }
0x166: {  	s0 =	stileid.u32;
	[bflag:$0x2] =	sbarrier.arrive $0xFFFF  }
0x167: {  	p0 =	sne.s32 s0, $0x0;
	s0 =	rddreg [dreg:$0x3]  }
0x168: {  	s0 =	sadd.s32 @!p0 $0x100000, s0  }
0x169: {  	[sflag:s0] =	ssyncadd.tile.s32 @!p0 $0x1;
	_ =	shalt  }
.Lfunc_end2:
_tile_overlayer_lowered:
.L_overlay_start_2:
0x16a: {  	(tag) =	ssettag $0x2  }
0x16b: {  	s0 =	rddreg [dreg:$0x0];
	s2 =	stileid.u32  }
0x16c: {  	s1 =	rddreg [dreg:$0x1];
	p0 =	sne.s32 s2, $0x0  }
0x16d: {  	s3 =	rddreg [dreg:$0x2];
	[bflag:$0x3] =	sbarrier.arrive $0xFFFF;
	s2 =	simm.s32 @!p0 $0x1C02  }
0x16e: {  	[timem:s3], [sflag:s2] =	dma.local @!p0 [hbm:s0], s1  }
0x16f: {  	s0 =	simm.s32 @!p0 $0x2  }
0x170: {  	_ =	swait.ge @!p0 [sflag:s0], s1  }
0x171: {  	s1 =	ssub.s32 @!p0 $0x0, s1;
	[sflag:s0] =	ssyncset.done @!p0 $0x0  }
0x172: {  	[sflag:s0] =	ssyncadd.s32 @!p0 s1  }
0x173: {  	[bflag:$0x3] =	sbarrier.arrive $0xFFFF  }
0x174: {  	_ =	shalt  }

</sc_bundles>
